<compile_context>
chip_gen: v7x
topology: tpu7x:2x2x1
jax: 0.10.2.dev20260603
libtpu: 0.0.44.dev20260713+nightly
codegen_flags: <defaults>
</compile_context>

<pallas_src>
import functools

import jax
import jax.numpy as jnp
import numpy as _np
from jax import lax
from jax.experimental import pallas as pl
from jax.experimental.pallas import tpu as pltpu
from jax.experimental.pallas import tpu_sc as plsc

N, C, A, H, W = 2, 80, 1, 128, 128
HWA = H * W * A
M = HWA * C
IMG = 1024
PRE_NMS_THRESH = 0.05
WX, WY, WW, WH = 10.0, 10.0, 5.0, 5.0
BBOX_XFORM_CLIP = float(_np.log(1000.0 / 16.0))
TOPK = 10000

BLK = 1024
NS = 16
KP = 10240
PT = KP // NS


def _score_body(cls_ref, iou_ref, out_ref):
    bc = jax.nn.sigmoid(cls_ref[0])
    iou = jax.nn.sigmoid(iou_ref[0, 0, 0])
    s = jnp.sqrt(bc * iou[:, None])
    out_ref[0] = jnp.where(bc > PRE_NMS_THRESH, s, -1.0)


def _masked_scores(box_cls, iou_pred):
    bc_t = jnp.transpose(box_cls.reshape(N, C, HWA), (0, 2, 1))
    iou_t = iou_pred.reshape(N, HWA // BLK, 1, BLK)
    out = pl.pallas_call(
        _score_body,
        grid=(N, HWA // BLK),
        in_specs=[
            pl.BlockSpec((1, BLK, C), lambda n, b: (n, b, 0)),
            pl.BlockSpec((1, 1, 1, BLK), lambda n, b: (n, b, 0, 0)),
        ],
        out_specs=pl.BlockSpec((1, BLK, C), lambda n, b: (n, b, 0)),
        out_shape=jax.ShapeDtypeStruct((N, HWA, C), jnp.float32),
    )(bc_t, iou_t)
    return out.reshape(N, M)


def _vconst(val):
    return jnp.full((16,), val, jnp.float32)


def _gather_decode(loc, br_cm, anc_cm):
    mesh = plsc.VectorSubcoreMesh(core_axis_name="c", subcore_axis_name="s")

    @functools.partial(
        pl.kernel,
        mesh=mesh,
        out_type=jax.ShapeDtypeStruct((N, 4, KP), jnp.float32),
        scratch_types=(
            [pltpu.VMEM((PT,), jnp.int32)]
            + [pltpu.VMEM((PT,), jnp.float32) for _ in range(12)]
            + [pltpu.SemaphoreType.DMA]
        ),
    )
    def e_kernel(loc_hbm, br_hbm, anc_hbm, det_hbm,
                 lbuf, c0, c1, c2, c3, c4, c5, c6, c7,
                 d0, d1, d2, d3, sem):
        cc = lax.axis_index("c")
        ss = lax.axis_index("s")
        base = ss * PT
        pltpu.sync_copy(loc_hbm.at[cc, pl.ds(base, PT)], lbuf)
        comps = (c0, c1, c2, c3, c4, c5, c6, c7)
        dets = (d0, d1, d2, d3)
        for ci in range(4):
            pltpu.async_copy(br_hbm.at[cc, ci].at[lbuf], comps[ci], sem)
            pltpu.async_copy(anc_hbm.at[cc, ci].at[lbuf], comps[4 + ci], sem)
        for ci in range(4):
            pltpu.make_async_copy(br_hbm.at[cc, ci].at[lbuf],
                                  comps[ci], sem).wait()
            pltpu.make_async_copy(anc_hbm.at[cc, ci].at[lbuf],
                                  comps[4 + ci], sem).wait()
        one = _vconst(1.0)
        half = _vconst(0.5)
        iwx = _vconst(1.0 / WX)
        iwy = _vconst(1.0 / WY)
        iww = _vconst(1.0 / WW)
        iwh = _vconst(1.0 / WH)
        clipv = _vconst(BBOX_XFORM_CLIP)
        zero = _vconst(0.0)
        lim = _vconst(IMG - 1.0)
        for q in range(PT // 16):
            sl = pl.ds(q * 16, 16)
            rx = c0[sl]
            ry = c1[sl]
            rw = c2[sl]
            rh = c3[sl]
            a0 = c4[sl]
            a1 = c5[sl]
            a2 = c6[sl]
            a3 = c7[sl]
            widths = a2 - a0 + one
            heights = a3 - a1 + one
            ctr_x = a0 + half * widths
            ctr_y = a1 + half * heights
            dx = rx * iwx
            dy = ry * iwy
            dw = jnp.minimum(rw * iww, clipv)
            dh = jnp.minimum(rh * iwh, clipv)
            pcx = dx * widths + ctr_x
            pcy = dy * heights + ctr_y
            pw = jnp.exp(dw) * widths
            ph = jnp.exp(dh) * heights
            hx = half * (pw - one)
            hy = half * (ph - one)
            d0[sl] = jnp.maximum(jnp.minimum(pcx - hx, lim), zero)
            d1[sl] = jnp.maximum(jnp.minimum(pcy - hy, lim), zero)
            d2[sl] = jnp.maximum(jnp.minimum(pcx + hx, lim), zero)
            d3[sl] = jnp.maximum(jnp.minimum(pcy + hy, lim), zero)
        for ci in range(4):
            pltpu.sync_copy(dets[ci], det_hbm.at[cc, ci, pl.ds(base, PT)])

    return e_kernel(loc, br_cm, anc_cm)


def _decode_body(reg_ref, anc_ref, out_ref):
    rel = reg_ref[0]
    anc = anc_ref[0]
    one = 1.0
    widths = anc[:, 2] - anc[:, 0] + one
    heights = anc[:, 3] - anc[:, 1] + one
    ctr_x = anc[:, 0] + 0.5 * widths
    ctr_y = anc[:, 1] + 0.5 * heights
    dx = rel[:, 0] / WX
    dy = rel[:, 1] / WY
    dw = jnp.minimum(rel[:, 2] / WW, BBOX_XFORM_CLIP)
    dh = jnp.minimum(rel[:, 3] / WH, BBOX_XFORM_CLIP)
    pcx = dx * widths + ctr_x
    pcy = dy * heights + ctr_y
    pw = jnp.exp(dw) * widths
    ph = jnp.exp(dh) * heights
    x1 = jnp.clip(pcx - 0.5 * (pw - one), 0.0, IMG - 1.0)
    y1 = jnp.clip(pcy - 0.5 * (ph - one), 0.0, IMG - 1.0)
    x2 = jnp.clip(pcx + 0.5 * (pw - one), 0.0, IMG - 1.0)
    y2 = jnp.clip(pcy + 0.5 * (ph - one), 0.0, IMG - 1.0)
    out_ref[0] = jnp.stack([x1, y1, x2, y2], axis=-1)


def _decode_tc(per_reg, per_anc):
    spec = pl.BlockSpec((1, TOPK, 4), lambda n: (n, 0, 0))
    return pl.pallas_call(
        _decode_body,
        grid=(N,),
        in_specs=[spec, spec],
        out_specs=spec,
        out_shape=jax.ShapeDtypeStruct((N, TOPK, 4), jnp.float32),
    )(per_reg, per_anc)


def _finalize_body(v_ref, i_ref, sc_ref, lab_ref):
    v = v_ref[0]
    ix = i_ref[0]
    valid = v > 0.0
    sc_ref[0] = jnp.where(valid, v, 0.0)
    lab_ref[0] = jnp.where(valid, ix % C + 1, 0)


def _finalize(top_v, top_i):
    spec = pl.BlockSpec((1, 80, 125), lambda n: (n, 0, 0))
    return pl.pallas_call(
        _finalize_body,
        grid=(N,),
        in_specs=[spec, spec],
        out_specs=[spec, spec],
        out_shape=[
            jax.ShapeDtypeStruct((N, 80, 125), jnp.float32),
            jax.ShapeDtypeStruct((N, 80, 125), jnp.int32),
        ],
    )(top_v.reshape(N, 80, 125), top_i.reshape(N, 80, 125))


def kernel(box_cls, box_regression, iou_pred, anchors):
    scores = _masked_scores(box_cls, iou_pred)
    top_v, top_i = jax.lax.top_k(scores, TOPK)
    loc = top_i // C
    br_t = jnp.transpose(box_regression.reshape(N, 4, HWA), (0, 2, 1))
    per_reg = jnp.take_along_axis(br_t, loc[..., None], axis=1)
    per_anc = jnp.take_along_axis(anchors, loc[..., None], axis=1)
    det = _decode_tc(per_reg, per_anc)
    sc, lab = _finalize(top_v, top_i)
    return det, sc.reshape(N, TOPK), lab.reshape(N, TOPK)

# --- scband reference (transcript-rebuilt; emitter-appended) ---
"""Pipeline reference for scband-paapost-processor-40965398069545 (READ-ONLY COPY).

The authoritative reference and input builder live on the scoring server;
editing this copy changes nothing except your own understanding.
"""

import jax, jax.numpy as jnp
import numpy as np

N, C, A, H, W = 2, 80, 1, 128, 128
STRIDE = 8
IMG = 1024
PRE_NMS_THRESH = 0.05
PRE_NMS_TOP_N = 1000
MIN_SIZE = 0.0
WX, WY, WW, WH = 10.0, 10.0, 5.0, 5.0
BBOX_XFORM_CLIP = float(np.log(1000.0 / 16.0))
K = min(PRE_NMS_TOP_N * 10, H * W * A * C)


def permute_and_flatten(x, n, a, c, h, w):
    x = x.reshape(n, a, c, h, w)
    x = jnp.transpose(x, (0, 3, 4, 1, 2))
    return x.reshape(n, -1, c)


def decode(rel, anchors):
    # maskrcnn-benchmark BoxCoder.decode with weights (10,10,5,5)
    TO_REMOVE = 1.0
    widths = anchors[..., 2] - anchors[..., 0] + TO_REMOVE
    heights = anchors[..., 3] - anchors[..., 1] + TO_REMOVE
    ctr_x = anchors[..., 0] + 0.5 * widths
    ctr_y = anchors[..., 1] + 0.5 * heights
    dx = rel[..., 0] / WX
    dy = rel[..., 1] / WY
    dw = jnp.minimum(rel[..., 2] / WW, BBOX_XFORM_CLIP)
    dh = jnp.minimum(rel[..., 3] / WH, BBOX_XFORM_CLIP)
    pred_ctr_x = dx * widths + ctr_x
    pred_ctr_y = dy * heights + ctr_y
    pred_w = jnp.exp(dw) * widths
    pred_h = jnp.exp(dh) * heights
    x1 = pred_ctr_x - 0.5 * (pred_w - 1.0)
    y1 = pred_ctr_y - 0.5 * (pred_h - 1.0)
    x2 = pred_ctr_x + 0.5 * (pred_w - 1.0)
    y2 = pred_ctr_y + 0.5 * (pred_h - 1.0)
    return jnp.stack([x1, y1, x2, y2], axis=-1)


def make_anchors():
    ys = (jnp.arange(H, dtype=jnp.float32) + 0.5) * STRIDE
    xs = (jnp.arange(W, dtype=jnp.float32) + 0.5) * STRIDE
    cy, cx = jnp.meshgrid(ys, xs, indexing='ij')
    half = 4.0 * STRIDE
    a = jnp.stack([cx - half, cy - half, cx + half, cy + half], axis=-1).reshape(-1, 4)
    return jnp.broadcast_to(a[None], (N, H * W * A, 4))


def setup_inputs(seed: int = 0) -> dict:
    key = jax.random.key(seed)
    k1, k2, k3 = jax.random.split(key, 3)
    box_cls = jax.random.normal(k1, (N, A * C, H, W), dtype=jnp.float32) - 2.0
    box_regression = jax.random.normal(k2, (N, A * 4, H, W), dtype=jnp.float32) * 0.5
    iou_pred = jax.random.normal(k3, (N, A * 1, H, W), dtype=jnp.float32)
    anchors = make_anchors()
    return {
        'box_cls': box_cls,
        'box_regression': box_regression,
        'iou_pred': iou_pred,
        'anchors': anchors,
    }


def reference(box_cls, box_regression, iou_pred, anchors):
    # forward_for_single_feature_map with targets=None, fixed-size top-k
    bc = jax.nn.sigmoid(permute_and_flatten(box_cls, N, A, C, H, W))  # [N, HWA, C]
    br = permute_and_flatten(box_regression, N, A, 4, H, W).reshape(N, -1, 4)
    candidate_inds = bc > PRE_NMS_THRESH
    iou = jax.nn.sigmoid(permute_and_flatten(iou_pred, N, A, 1, H, W).reshape(N, -1))
    scores = jnp.sqrt(bc * iou[:, :, None])  # [N, HWA, C]
    flat = scores.reshape(N, -1)
    mask = candidate_inds.reshape(N, -1)
    masked = jnp.where(mask, flat, -1.0)
    top_v, top_i = jax.lax.top_k(masked, K)  # pre_nms_top_n*10 candidates per image
    loc = top_i // C
    cls = top_i % C + 1
    per_reg = jnp.take_along_axis(br, loc[..., None], axis=1)      # [N, K, 4]
    per_anc = jnp.take_along_axis(anchors, loc[..., None], axis=1)  # [N, K, 4]
    det = decode(per_reg, per_anc)
    det = jnp.clip(det, 0.0, IMG - 1.0)  # clip_to_image
    ws = det[..., 2] - det[..., 0] + 1.0
    hs = det[..., 3] - det[..., 1] + 1.0
    valid = jnp.take_along_axis(mask, top_i, axis=1) & (ws >= MIN_SIZE) & (hs >= MIN_SIZE)
    scores_out = jnp.where(valid, top_v, 0.0)
    labels = jnp.where(valid, cls, 0)
    return det, scores_out, labels


if False:  # reference __main__ guard neutralized (emitter)
    out = reference(**setup_inputs())
    for o in out:
        print(o.shape, o.dtype)

if __name__ == "__main__":
    import jax
    _d = setup_inputs()
    print(jax.jit(kernel)(*tuple(_d.values())))

</pallas_src>

<mosaic_0001>
module attributes {stable_mosaic.version = 14 : i64} {
  func.func @_score_body(%arg0: i32, %arg1: i32, %arg2: memref<1x1024x80xf32, #tpu.memory_space<vmem>>, %arg3: memref<1x1x1x1024xf32, #tpu.memory_space<vmem>>, %arg4: memref<1x1024x80xf32, #tpu.memory_space<vmem>>) attributes {dimension_semantics = [#tpu.dimension_semantics<arbitrary>, #tpu.dimension_semantics<arbitrary>], iteration_bounds = array<i64: 2, 16>, scalar_prefetch = 0 : i64, scratch_operands = 0 : i64, tpu.core_type = #tpu.core_type<tc>, window_params = [{transform_indices = @transform_0, window_bounds = array<i64: 1, 1024, 80>}, {transform_indices = @transform_1, window_bounds = array<i64: 1, 1, 1, 1024>}, {transform_indices = @transform_2, window_bounds = array<i64: 1, 1024, 80>}]} {
    %get3A = arith.constant 0 : index
    %get3A_0 = arith.constant 0 : index
    %get3A_1 = arith.constant 0 : index
    %get3A_2 = vector.load %arg2[%get3A, %get3A_0, %get3A_1] : memref<1x1024x80xf32, #tpu.memory_space<vmem>>, vector<1x1024x80xf32>
    %get3A_3 = vector.shape_cast %get3A_2 : vector<1x1024x80xf32> to vector<1024x80xf32>
    %logistic3A = arith.negf %get3A_3 : vector<1024x80xf32>
    %logistic3A_4 = math.exp %logistic3A : vector<1024x80xf32>
    %logistic3A_5 = arith.constant 1.000000e+00 : f32
    %logistic3A_6 = vector.broadcast %logistic3A_5 : f32 to vector<1024x80xf32>
    %logistic3A_7 = arith.addf %logistic3A_6, %logistic3A_4 : vector<1024x80xf32>
    %logistic3A_8 = arith.divf %logistic3A_6, %logistic3A_7 : vector<1024x80xf32>
    %get3A_9 = arith.constant 0 : index
    %get3A_10 = arith.constant 0 : index
    %get3A_11 = arith.constant 0 : index
    %get3A_12 = arith.constant 0 : index
    %get3A_13 = vector.load %arg3[%get3A_9, %get3A_10, %get3A_11, %get3A_12] : memref<1x1x1x1024xf32, #tpu.memory_space<vmem>>, vector<1x1x1x1024xf32>
    %get3A_14 = vector.shape_cast %get3A_13 : vector<1x1x1x1024xf32> to vector<1024xf32>
    %logistic3A_15 = arith.negf %get3A_14 : vector<1024xf32>
    %logistic3A_16 = math.exp %logistic3A_15 : vector<1024xf32>
    %logistic3A_17 = arith.constant 1.000000e+00 : f32
    %logistic3A_18 = vector.broadcast %logistic3A_17 : f32 to vector<1024xf32>
    %logistic3A_19 = arith.addf %logistic3A_18, %logistic3A_16 : vector<1024xf32>
    %logistic3A_20 = arith.divf %logistic3A_18, %logistic3A_19 : vector<1024xf32>
    %broadcast_in_dim3A = vector.shape_cast %logistic3A_20 : vector<1024xf32> to vector<1024x1xf32>
    %mul3A = vector.broadcast %broadcast_in_dim3A : vector<1024x1xf32> to vector<1024x80xf32>
    %mul3A_21 = arith.mulf %logistic3A_8, %mul3A : vector<1024x80xf32>
    %sqrt3A = math.sqrt %mul3A_21 : vector<1024x80xf32>
    %gt3A = arith.constant 5.000000e-02 : f32
    %gt3A_22 = vector.broadcast %gt3A : f32 to vector<1024x80xf32>
    %gt3A_23 = arith.cmpf ogt, %logistic3A_8, %gt3A_22 : vector<1024x80xf32>
    %jit3A = arith.constant -1.000000e+00 : f32
    %broadcast_in_dim3A_24 = vector.broadcast %jit3A : f32 to vector<1024x80xf32>
    %select_n3A = arith.select %gt3A_23, %sqrt3A, %broadcast_in_dim3A_24 : vector<1024x80xi1>, vector<1024x80xf32>
    %swap3A = arith.constant 0 : index
    %swap3A_25 = arith.constant 0 : index
    %swap3A_26 = arith.constant 0 : index
    %swap3A_27 = vector.load %arg4[%swap3A, %swap3A_25, %swap3A_26] : memref<1x1024x80xf32, #tpu.memory_space<vmem>>, vector<1x1024x80xf32>
    %swap3A_28 = vector.shape_cast %swap3A_27 : vector<1x1024x80xf32> to vector<1024x80xf32>
    %swap3A_29 = vector.shape_cast %select_n3A : vector<1024x80xf32> to vector<1x1024x80xf32>
    tpu.vector_store %arg4[%swap3A, %swap3A_25, %swap3A_26], %swap3A_29 {strides = array<i32>} : memref<1x1024x80xf32, #tpu.memory_space<vmem>>, vector<1x1024x80xf32>,
    return
  }
  func.func @transform_0(%arg0: i32, %arg1: i32) -> (i32, i32, i32) {
    %c0_i32 = arith.constant 0 : i32
    %c0_i32_0 = arith.constant 0 : i32
    return %arg0, %arg1, %c0_i32 : i32, i32, i32
  }
  func.func @transform_1(%arg0: i32, %arg1: i32) -> (i32, i32, i32, i32) {
    %c0_i32 = arith.constant 0 : i32
    %c0_i32_0 = arith.constant 0 : i32
    %c0_i32_1 = arith.constant 0 : i32
    return %arg0, %arg1, %c0_i32, %c0_i32_0 : i32, i32, i32, i32
  }
  func.func @transform_2(%arg0: i32, %arg1: i32) -> (i32, i32, i32) {
    %c0_i32 = arith.constant 0 : i32
    %c0_i32_0 = arith.constant 0 : i32
    return %arg0, %arg1, %c0_i32 : i32, i32, i32
  }
}

module attributes {stable_mosaic.version = 14 : i64} {
  func.func @_finalize_body(%arg0: i32, %arg1: memref<1x80x125xf32, #tpu.memory_space<vmem>>, %arg2: memref<1x80x125xi32, #tpu.memory_space<vmem>>, %arg3: memref<1x80x125xf32, #tpu.memory_space<vmem>>, %arg4: memref<1x80x125xi32, #tpu.memory_space<vmem>>) attributes {dimension_semantics = [#tpu.dimension_semantics<arbitrary>], iteration_bounds = array<i64: 2>, scalar_prefetch = 0 : i64, scratch_operands = 0 : i64, tpu.core_type = #tpu.core_type<tc>, window_params = [{transform_indices = @transform_0, window_bounds = array<i64: 1, 80, 125>}, {transform_indices = @transform_1, window_bounds = array<i64: 1, 80, 125>}, {transform_indices = @transform_2, window_bounds = array<i64: 1, 80, 125>}, {transform_indices = @transform_3, window_bounds = array<i64: 1, 80, 125>}]} {
    %get3A = arith.constant 0 : index
    %get3A_0 = arith.constant 0 : index
    %get3A_1 = arith.constant 0 : index
    %get3A_2 = vector.load %arg1[%get3A, %get3A_0, %get3A_1] : memref<1x80x125xf32, #tpu.memory_space<vmem>>, vector<1x80x125xf32>
    %get3A_3 = vector.shape_cast %get3A_2 : vector<1x80x125xf32> to vector<80x125xf32>
    %get3A_4 = arith.constant 0 : index
    %get3A_5 = arith.constant 0 : index
    %get3A_6 = arith.constant 0 : index
    %get3A_7 = vector.load %arg2[%get3A_4, %get3A_5, %get3A_6] : memref<1x80x125xi32, #tpu.memory_space<vmem>>, vector<1x80x125xi32>
    %get3A_8 = vector.shape_cast %get3A_7 : vector<1x80x125xi32> to vector<80x125xi32>
    %gt3A = arith.constant 0.000000e+00 : f32
    %gt3A_9 = vector.broadcast %gt3A : f32 to vector<80x125xf32>
    %gt3A_10 = arith.cmpf ogt, %get3A_3, %gt3A_9 : vector<80x125xf32>
    %jit3A = arith.constant 0.000000e+00 : f32
    %broadcast_in_dim3A = vector.broadcast %jit3A : f32 to vector<80x125xf32>
    %select_n3A = arith.select %gt3A_10, %get3A_3, %broadcast_in_dim3A : vector<80x125xi1>, vector<80x125xf32>
    %swap3A = arith.constant 0 : index
    %swap3A_11 = arith.constant 0 : index
    %swap3A_12 = arith.constant 0 : index
    %swap3A_13 = vector.load %arg3[%swap3A, %swap3A_11, %swap3A_12] : memref<1x80x125xf32, #tpu.memory_space<vmem>>, vector<1x80x125xf32>
    %swap3A_14 = vector.shape_cast %swap3A_13 : vector<1x80x125xf32> to vector<80x125xf32>
    %swap3A_15 = vector.shape_cast %select_n3A : vector<80x125xf32> to vector<1x80x125xf32>
    tpu.vector_store %arg3[%swap3A, %swap3A_11, %swap3A_12], %swap3A_15 {strides = array<i32>} : memref<1x80x125xf32, #tpu.memory_space<vmem>>, vector<1x80x125xf32>,
    %jit3A_16 = arith.constant 80 : i32
    %eq3A = arith.constant 0 : i32
    %eq3A_17 = arith.cmpi eq, %jit3A_16, %eq3A : i32
    %jit3A_18 = arith.constant 1 : i32
    %select_n3A_19 = arith.select %eq3A_17, %jit3A_18, %jit3A_16 : i32
    %rem3A = vector.broadcast %select_n3A_19 : i32 to vector<80x125xi32>
    %rem3A_20 = arith.remsi %get3A_8, %rem3A : vector<80x125xi32>
    %ne3A = arith.constant 0 : i32
    %ne3A_21 = vector.broadcast %ne3A : i32 to vector<80x125xi32>
    %ne3A_22 = arith.cmpi ne, %rem3A_20, %ne3A_21 : vector<80x125xi32>
    %lt3A = arith.constant 0 : i32
    %lt3A_23 = vector.broadcast %lt3A : i32 to vector<80x125xi32>
    %lt3A_24 = arith.cmpi slt, %rem3A_20, %lt3A_23 : vector<80x125xi32>
    %lt3A_25 = arith.constant 0 : i32
    %lt3A_26 = arith.cmpi slt, %select_n3A_19, %lt3A_25 : i32
    %ne3A_27 = vector.broadcast %lt3A_26 : i1 to vector<80x125xi1>
    %ne3A_28 = vector.broadcast %ne3A_27 : vector<80x125xi1> to vector<80x125xi1>
    %ne3A_29 = arith.xori %lt3A_24, %ne3A_28 : vector<80x125xi1>
    %and3A = arith.andi %ne3A_29, %ne3A_22 : vector<80x125xi1>
    %add3A = vector.broadcast %select_n3A_19 : i32 to vector<80x125xi32>
    %add3A_30 = arith.addi %rem3A_20, %add3A : vector<80x125xi32>
    %select_n3A_31 = arith.select %and3A, %add3A_30, %rem3A_20 : vector<80x125xi1>, vector<80x125xi32>
    %add3A_32 = arith.constant 1 : i32
    %add3A_33 = vector.broadcast %add3A_32 : i32 to vector<80x125xi32>
    %add3A_34 = arith.addi %select_n3A_31, %add3A_33 : vector<80x125xi32>
    %jit3A_35 = arith.constant 0 : i32
    %broadcast_in_dim3A_36 = vector.broadcast %jit3A_35 : i32 to vector<80x125xi32>
    %select_n3A_37 = arith.select %gt3A_10, %add3A_34, %broadcast_in_dim3A_36 : vector<80x125xi1>, vector<80x125xi32>
    %swap3A_38 = arith.constant 0 : index
    %swap3A_39 = arith.constant 0 : index
    %swap3A_40 = arith.constant 0 : index
    %swap3A_41 = vector.load %arg4[%swap3A_38, %swap3A_39, %swap3A_40] : memref<1x80x125xi32, #tpu.memory_space<vmem>>, vector<1x80x125xi32>
    %swap3A_42 = vector.shape_cast %swap3A_41 : vector<1x80x125xi32> to vector<80x125xi32>
    %swap3A_43 = vector.shape_cast %select_n3A_37 : vector<80x125xi32> to vector<1x80x125xi32>
    tpu.vector_store %arg4[%swap3A_38, %swap3A_39, %swap3A_40], %swap3A_43 {strides = array<i32>} : memref<1x80x125xi32, #tpu.memory_space<vmem>>, vector<1x80x125xi32>,
    return
  }
  func.func @transform_0(%arg0: i32) -> (i32, i32, i32) {
    %c0_i32 = arith.constant 0 : i32
    %c0_i32_0 = arith.constant 0 : i32
    %c0_i32_1 = arith.constant 0 : i32
    return %arg0, %c0_i32, %c0_i32_0 : i32, i32, i32
  }
  func.func @transform_1(%arg0: i32) -> (i32, i32, i32) {
    %c0_i32 = arith.constant 0 : i32
    %c0_i32_0 = arith.constant 0 : i32
    %c0_i32_1 = arith.constant 0 : i32
    return %arg0, %c0_i32, %c0_i32_0 : i32, i32, i32
  }
  func.func @transform_2(%arg0: i32) -> (i32, i32, i32) {
    %c0_i32 = arith.constant 0 : i32
    %c0_i32_0 = arith.constant 0 : i32
    %c0_i32_1 = arith.constant 0 : i32
    return %arg0, %c0_i32, %c0_i32_0 : i32, i32, i32
  }
  func.func @transform_3(%arg0: i32) -> (i32, i32, i32) {
    %c0_i32 = arith.constant 0 : i32
    %c0_i32_0 = arith.constant 0 : i32
    %c0_i32_1 = arith.constant 0 : i32
    return %arg0, %c0_i32, %c0_i32_0 : i32, i32, i32
  }
}

module attributes {stable_mosaic.version = 14 : i64} {
  func.func @_decode_body(%arg0: i32, %arg1: memref<1x10000x4xf32, #tpu.memory_space<vmem>>, %arg2: memref<1x10000x4xf32, #tpu.memory_space<vmem>>, %arg3: memref<1x10000x4xf32, #tpu.memory_space<vmem>>) attributes {dimension_semantics = [#tpu.dimension_semantics<arbitrary>], iteration_bounds = array<i64: 2>, scalar_prefetch = 0 : i64, scratch_operands = 0 : i64, tpu.core_type = #tpu.core_type<tc>, window_params = [{transform_indices = @transform_0, window_bounds = array<i64: 1, 10000, 4>}, {transform_indices = @transform_1, window_bounds = array<i64: 1, 10000, 4>}, {transform_indices = @transform_2, window_bounds = array<i64: 1, 10000, 4>}]} {
    %get3A = arith.constant 0 : index
    %get3A_0 = arith.constant 0 : index
    %get3A_1 = arith.constant 0 : index
    %get3A_2 = vector.load %arg1[%get3A, %get3A_0, %get3A_1] : memref<1x10000x4xf32, #tpu.memory_space<vmem>>, vector<1x10000x4xf32>
    %get3A_3 = vector.shape_cast %get3A_2 : vector<1x10000x4xf32> to vector<10000x4xf32>
    %get3A_4 = arith.constant 0 : index
    %get3A_5 = arith.constant 0 : index
    %get3A_6 = arith.constant 0 : index
    %get3A_7 = vector.load %arg2[%get3A_4, %get3A_5, %get3A_6] : memref<1x10000x4xf32, #tpu.memory_space<vmem>>, vector<1x10000x4xf32>
    %get3A_8 = vector.shape_cast %get3A_7 : vector<1x10000x4xf32> to vector<10000x4xf32>
    %slice3A = vector.extract_strided_slice %get3A_8 {offsets = [0, 2], sizes = [10000, 1], strides = [1, 1]} : vector<10000x4xf32> to vector<10000x1xf32>
    %squeeze3A = vector.shape_cast %slice3A : vector<10000x1xf32> to vector<10000xf32>
    %slice3A_9 = vector.extract_strided_slice %get3A_8 {offsets = [0, 0], sizes = [10000, 1], strides = [1, 1]} : vector<10000x4xf32> to vector<10000x1xf32>
    %squeeze3A_10 = vector.shape_cast %slice3A_9 : vector<10000x1xf32> to vector<10000xf32>
    %sub3A = arith.subf %squeeze3A, %squeeze3A_10 : vector<10000xf32>
    %add3A = arith.constant 1.000000e+00 : f32
    %add3A_11 = vector.broadcast %add3A : f32 to vector<10000xf32>
    %add3A_12 = arith.addf %sub3A, %add3A_11 : vector<10000xf32>
    %slice3A_13 = vector.extract_strided_slice %get3A_8 {offsets = [0, 3], sizes = [10000, 1], strides = [1, 1]} : vector<10000x4xf32> to vector<10000x1xf32>
    %squeeze3A_14 = vector.shape_cast %slice3A_13 : vector<10000x1xf32> to vector<10000xf32>
    %slice3A_15 = vector.extract_strided_slice %get3A_8 {offsets = [0, 1], sizes = [10000, 1], strides = [1, 1]} : vector<10000x4xf32> to vector<10000x1xf32>
    %squeeze3A_16 = vector.shape_cast %slice3A_15 : vector<10000x1xf32> to vector<10000xf32>
    %sub3A_17 = arith.subf %squeeze3A_14, %squeeze3A_16 : vector<10000xf32>
    %add3A_18 = arith.constant 1.000000e+00 : f32
    %add3A_19 = vector.broadcast %add3A_18 : f32 to vector<10000xf32>
    %add3A_20 = arith.addf %sub3A_17, %add3A_19 : vector<10000xf32>
    %slice3A_21 = vector.extract_strided_slice %get3A_8 {offsets = [0, 0], sizes = [10000, 1], strides = [1, 1]} : vector<10000x4xf32> to vector<10000x1xf32>
    %squeeze3A_22 = vector.shape_cast %slice3A_21 : vector<10000x1xf32> to vector<10000xf32>
    %mul3A = arith.constant 5.000000e-01 : f32
    %mul3A_23 = vector.broadcast %mul3A : f32 to vector<10000xf32>
    %mul3A_24 = arith.mulf %mul3A_23, %add3A_12 : vector<10000xf32>
    %add3A_25 = arith.addf %squeeze3A_22, %mul3A_24 : vector<10000xf32>
    %slice3A_26 = vector.extract_strided_slice %get3A_8 {offsets = [0, 1], sizes = [10000, 1], strides = [1, 1]} : vector<10000x4xf32> to vector<10000x1xf32>
    %squeeze3A_27 = vector.shape_cast %slice3A_26 : vector<10000x1xf32> to vector<10000xf32>
    %mul3A_28 = arith.constant 5.000000e-01 : f32
    %mul3A_29 = vector.broadcast %mul3A_28 : f32 to vector<10000xf32>
    %mul3A_30 = arith.mulf %mul3A_29, %add3A_20 : vector<10000xf32>
    %add3A_31 = arith.addf %squeeze3A_27, %mul3A_30 : vector<10000xf32>
    %slice3A_32 = vector.extract_strided_slice %get3A_3 {offsets = [0, 0], sizes = [10000, 1], strides = [1, 1]} : vector<10000x4xf32> to vector<10000x1xf32>
    %squeeze3A_33 = vector.shape_cast %slice3A_32 : vector<10000x1xf32> to vector<10000xf32>
    %div3A = arith.constant 1.000000e+01 : f32
    %div3A_34 = vector.broadcast %div3A : f32 to vector<10000xf32>
    %div3A_35 = arith.divf %squeeze3A_33, %div3A_34 : vector<10000xf32>
    %slice3A_36 = vector.extract_strided_slice %get3A_3 {offsets = [0, 1], sizes = [10000, 1], strides = [1, 1]} : vector<10000x4xf32> to vector<10000x1xf32>
    %squeeze3A_37 = vector.shape_cast %slice3A_36 : vector<10000x1xf32> to vector<10000xf32>
    %div3A_38 = arith.constant 1.000000e+01 : f32
    %div3A_39 = vector.broadcast %div3A_38 : f32 to vector<10000xf32>
    %div3A_40 = arith.divf %squeeze3A_37, %div3A_39 : vector<10000xf32>
    %slice3A_41 = vector.extract_strided_slice %get3A_3 {offsets = [0, 2], sizes = [10000, 1], strides = [1, 1]} : vector<10000x4xf32> to vector<10000x1xf32>
    %squeeze3A_42 = vector.shape_cast %slice3A_41 : vector<10000x1xf32> to vector<10000xf32>
    %div3A_43 = arith.constant 5.000000e+00 : f32
    %div3A_44 = vector.broadcast %div3A_43 : f32 to vector<10000xf32>
    %div3A_45 = arith.divf %squeeze3A_42, %div3A_44 : vector<10000xf32>
    %min3A = arith.constant 4.13516665 : f32
    %min3A_46 = vector.broadcast %min3A : f32 to vector<10000xf32>
    %min3A_47 = arith.minimumf %div3A_45, %min3A_46 : vector<10000xf32>
    %slice3A_48 = vector.extract_strided_slice %get3A_3 {offsets = [0, 3], sizes = [10000, 1], strides = [1, 1]} : vector<10000x4xf32> to vector<10000x1xf32>
    %squeeze3A_49 = vector.shape_cast %slice3A_48 : vector<10000x1xf32> to vector<10000xf32>
    %div3A_50 = arith.constant 5.000000e+00 : f32
    %div3A_51 = vector.broadcast %div3A_50 : f32 to vector<10000xf32>
    %div3A_52 = arith.divf %squeeze3A_49, %div3A_51 : vector<10000xf32>
    %min3A_53 = arith.constant 4.13516665 : f32
    %min3A_54 = vector.broadcast %min3A_53 : f32 to vector<10000xf32>
    %min3A_55 = arith.minimumf %div3A_52, %min3A_54 : vector<10000xf32>
    %mul3A_56 = arith.mulf %div3A_35, %add3A_12 : vector<10000xf32>
    %add3A_57 = arith.addf %mul3A_56, %add3A_25 : vector<10000xf32>
    %mul3A_58 = arith.mulf %div3A_40, %add3A_20 : vector<10000xf32>
    %add3A_59 = arith.addf %mul3A_58, %add3A_31 : vector<10000xf32>
    %exp3A = math.exp %min3A_47 : vector<10000xf32>
    %mul3A_60 = arith.mulf %exp3A, %add3A_12 : vector<10000xf32>
    %exp3A_61 = math.exp %min3A_55 : vector<10000xf32>
    %mul3A_62 = arith.mulf %exp3A_61, %add3A_20 : vector<10000xf32>
    %sub3A_63 = arith.constant 1.000000e+00 : f32
    %sub3A_64 = vector.broadcast %sub3A_63 : f32 to vector<10000xf32>
    %sub3A_65 = arith.subf %mul3A_60, %sub3A_64 : vector<10000xf32>
    %mul3A_66 = arith.constant 5.000000e-01 : f32
    %mul3A_67 = vector.broadcast %mul3A_66 : f32 to vector<10000xf32>
    %mul3A_68 = arith.mulf %mul3A_67, %sub3A_65 : vector<10000xf32>
    %sub3A_69 = arith.subf %add3A_57, %mul3A_68 : vector<10000xf32>
    %jit3A = arith.constant 0.000000e+00 : f32
    %jit3A_70 = arith.constant 1.023000e+03 : f32
    %max3A = vector.broadcast %jit3A : f32 to vector<10000xf32>
    %max3A_71 = arith.maximumf %max3A, %sub3A_69 : vector<10000xf32>
    %min3A_72 = vector.broadcast %jit3A_70 : f32 to vector<10000xf32>
    %min3A_73 = arith.minimumf %min3A_72, %max3A_71 : vector<10000xf32>
    %sub3A_74 = arith.constant 1.000000e+00 : f32
    %sub3A_75 = vector.broadcast %sub3A_74 : f32 to vector<10000xf32>
    %sub3A_76 = arith.subf %mul3A_62, %sub3A_75 : vector<10000xf32>
    %mul3A_77 = arith.constant 5.000000e-01 : f32
    %mul3A_78 = vector.broadcast %mul3A_77 : f32 to vector<10000xf32>
    %mul3A_79 = arith.mulf %mul3A_78, %sub3A_76 : vector<10000xf32>
    %sub3A_80 = arith.subf %add3A_59, %mul3A_79 : vector<10000xf32>
    %jit3A_81 = arith.constant 0.000000e+00 : f32
    %jit3A_82 = arith.constant 1.023000e+03 : f32
    %max3A_83 = vector.broadcast %jit3A_81 : f32 to vector<10000xf32>
    %max3A_84 = arith.maximumf %max3A_83, %sub3A_80 : vector<10000xf32>
    %min3A_85 = vector.broadcast %jit3A_82 : f32 to vector<10000xf32>
    %min3A_86 = arith.minimumf %min3A_85, %max3A_84 : vector<10000xf32>
    %sub3A_87 = arith.constant 1.000000e+00 : f32
    %sub3A_88 = vector.broadcast %sub3A_87 : f32 to vector<10000xf32>
    %sub3A_89 = arith.subf %mul3A_60, %sub3A_88 : vector<10000xf32>
    %mul3A_90 = arith.constant 5.000000e-01 : f32
    %mul3A_91 = vector.broadcast %mul3A_90 : f32 to vector<10000xf32>
    %mul3A_92 = arith.mulf %mul3A_91, %sub3A_89 : vector<10000xf32>
    %add3A_93 = arith.addf %add3A_57, %mul3A_92 : vector<10000xf32>
    %jit3A_94 = arith.constant 0.000000e+00 : f32
    %jit3A_95 = arith.constant 1.023000e+03 : f32
    %max3A_96 = vector.broadcast %jit3A_94 : f32 to vector<10000xf32>
    %max3A_97 = arith.maximumf %max3A_96, %add3A_93 : vector<10000xf32>
    %min3A_98 = vector.broadcast %jit3A_95 : f32 to vector<10000xf32>
    %min3A_99 = arith.minimumf %min3A_98, %max3A_97 : vector<10000xf32>
    %sub3A_100 = arith.constant 1.000000e+00 : f32
    %sub3A_101 = vector.broadcast %sub3A_100 : f32 to vector<10000xf32>
    %sub3A_102 = arith.subf %mul3A_62, %sub3A_101 : vector<10000xf32>
    %mul3A_103 = arith.constant 5.000000e-01 : f32
    %mul3A_104 = vector.broadcast %mul3A_103 : f32 to vector<10000xf32>
    %mul3A_105 = arith.mulf %mul3A_104, %sub3A_102 : vector<10000xf32>
    %add3A_106 = arith.addf %add3A_59, %mul3A_105 : vector<10000xf32>
    %jit3A_107 = arith.constant 0.000000e+00 : f32
    %jit3A_108 = arith.constant 1.023000e+03 : f32
    %max3A_109 = vector.broadcast %jit3A_107 : f32 to vector<10000xf32>
    %max3A_110 = arith.maximumf %max3A_109, %add3A_106 : vector<10000xf32>
    %min3A_111 = vector.broadcast %jit3A_108 : f32 to vector<10000xf32>
    %min3A_112 = arith.minimumf %min3A_111, %max3A_110 : vector<10000xf32>
    %stack3A = vector.shape_cast %min3A_73 : vector<10000xf32> to vector<10000x1xf32>
    %stack3A_113 = vector.shape_cast %min3A_86 : vector<10000xf32> to vector<10000x1xf32>
    %stack3A_114 = vector.shape_cast %min3A_99 : vector<10000xf32> to vector<10000x1xf32>
    %stack3A_115 = vector.shape_cast %min3A_112 : vector<10000xf32> to vector<10000x1xf32>
    %stack3A_116 = tpu.concatenate %stack3A, %stack3A_113, %stack3A_114, %stack3A_115 in 1 : vector<10000x1xf32>, vector<10000x1xf32>, vector<10000x1xf32>, vector<10000x1xf32> -> vector<10000x4xf32>
    %swap3A = arith.constant 0 : index
    %swap3A_117 = arith.constant 0 : index
    %swap3A_118 = arith.constant 0 : index
    %swap3A_119 = vector.load %arg3[%swap3A, %swap3A_117, %swap3A_118] : memref<1x10000x4xf32, #tpu.memory_space<vmem>>, vector<1x10000x4xf32>
    %swap3A_120 = vector.shape_cast %swap3A_119 : vector<1x10000x4xf32> to vector<10000x4xf32>
    %swap3A_121 = vector.shape_cast %stack3A_116 : vector<10000x4xf32> to vector<1x10000x4xf32>
    tpu.vector_store %arg3[%swap3A, %swap3A_117, %swap3A_118], %swap3A_121 {strides = array<i32>} : memref<1x10000x4xf32, #tpu.memory_space<vmem>>, vector<1x10000x4xf32>,
    return
  }
  func.func @transform_0(%arg0: i32) -> (i32, i32, i32) {
    %c0_i32 = arith.constant 0 : i32
    %c0_i32_0 = arith.constant 0 : i32
    %c0_i32_1 = arith.constant 0 : i32
    return %arg0, %c0_i32, %c0_i32_0 : i32, i32, i32
  }
  func.func @transform_1(%arg0: i32) -> (i32, i32, i32) {
    %c0_i32 = arith.constant 0 : i32
    %c0_i32_0 = arith.constant 0 : i32
    %c0_i32_1 = arith.constant 0 : i32
    return %arg0, %c0_i32, %c0_i32_0 : i32, i32, i32
  }
  func.func @transform_2(%arg0: i32) -> (i32, i32, i32) {
    %c0_i32 = arith.constant 0 : i32
    %c0_i32_0 = arith.constant 0 : i32
    %c0_i32_1 = arith.constant 0 : i32
    return %arg0, %c0_i32, %c0_i32_0 : i32, i32, i32
  }
}

</mosaic_0001>

<sc_bundles>
// kernel: gather_offload_async_start.1
scs
__scs_entry_jumppad:
0x0: {  	(pc) =	sbr.rel $0x88, $3  }
0x1: {  	(tag) =	ssettag $0x0;
	lr =	simm.s32 $0x1  }
0x2: {  	[smem:$0x3F9D] =	sst lr;
	_ =	strace $0xD0000000  }
0x3: {  	_ = 	snop  }
0x4: {  	_ = 	snop  }
0x5: {  	_ = 	snop  }
0x6: {  	_ = 	snop  }
0x7: {  	_ = 	snop  }
__scs_overlays_trampoline_lowered:
0x8: {  	[smem:$0x3FAC] =	sst s0  }
0x9: {  	[smem:$0x3FAD] =	sst s1  }
0xa: {  	[smem:$0x3FAE] =	sst s2  }
0xb: {  	[smem:$0x3FAF] =	sst s3  }
0xc: {  	[smem:$0x3FB0] =	sst s4  }
0xd: {  	[smem:$0x3FB1] =	sst s5  }
0xe: {  	[smem:$0x3FB2] =	sst s6  }
0xf: {  	[smem:$0x3FB3] =	sst s7  }
0x10: {  	[smem:$0x3FB4] =	sst s8  }
0x11: {  	[smem:$0x3FB5] =	sst s9;
	s0 =	simm.s32 @!p0 $0x0  }
0x12: {  	s1 =	sld [smem:$0x3F9B];
	s0 =	simm.s32 @p0 $0x1  }
0x13: {  	[smem:$0x3FB6] =	sst s0;
	s0 =	simm.s32 @!p1 $0x0  }
0x14: {  	s2 =	sld [smem:$0x3F9A];
	s0 =	simm.s32 @p1 $0x1  }
0x15: {  	[smem:$0x3FB7] =	sst s0;
	s0 =	simm.s32 @!p2 $0x0  }
0x16: {  	s3 =	sld [smem:$0x3FDB];
	s0 =	simm.s32 @p2 $0x1  }
0x17: {  	s4 =	simm.s32 $0x1BF5;
	[smem:$0x3FB9] =	sst s0  }
0x18: {  	s0 =	sld [smem:$0x3F9C];
	_ =	swait.ge [sflag:s4], $0x0  }
0x19: {  	s7 =	sld [smem:$0x3F9D]  }
0x1a: {  	s8 =	sadd.s32 $0xFFFFE003, lr  }
0x1b: {  	s9 =	sadd.s32 $0xFFFFFEF7, lr;
	s5 =	simm.s32 $0xFFFFFFFF;
	p2 =	slt.u32 s8, $0xFFFFF086  }
0x1c: {  	p1 =	slt.u32 s9, $0xF7A;
	s5 =	simm.s32 @!p2 $0x0  }
0x1d: {  	s5 =	simm.s32 @p1 $0x1;
	p0 =	seq.s32 s7, s2  }
0x1e: {  	s7 =	smul.u32 @!p0 $0xF7A, s2;
	p2 =	seq.s32 @!p0 s5, $0x0  }
0x1f: {  	s9 =	smul.u32 $0xF7A, s1;
	s8 =	simm.s32 @!p0 $0x1BF5;
	p2 =	por !p2, p0  }
0x20: {  	[sflag:s8] =	ssyncset.s32 @!p0 $0xFFFFF086;
	s6 =	sadd.s32 @!p0 s3, s7;
	s7 =	simm.s32 @!p0 $0x108  }
0x21: {  	s3 =	sadd.s32 s3, s9;
	s6 =	sadd.s32 @!p0 $0x88, s6;
	s7 =	simm.s32 @p2 $0x1082  }
0x22: {  	[simem:s7], [sflag:s8] =	dma.local @!p0 [hbm:s6], $0xF7A  }
0x23: {  	s9 =	sor.u32 $0xD0000000, s2;
	s6 =	simm.s32 $0x108;
	_ =	swait.ge @!p0 [sflag:s8], $0x0  }
0x24: {  	s3 =	sadd.s32 $0x88, s3;
	s6 =	simm.s32 @!p1 $0x1082;
	[sflag:s4] =	ssyncset.s32 $0xFFFFF086  }
0x25: {  	[simem:s6], [sflag:s4] =	dma.local [hbm:s3], $0xF7A  }
0x26: {  	[smem:$0x3F9D] =	sst s1;
	(tag) =	ssettag s2;
	_ =	strace s9  }
0x27: {  	s1 =	sld [smem:$0x3FAD]  }
0x28: {  	s2 =	sld [smem:$0x3FAE]  }
0x29: {  	s4 =	sld [smem:$0x3FB0]  }
0x2a: {  	p0 =	seq.s32 s5, $0x0;
	s5 =	sld [smem:$0x3FB1]  }
0x2b: {  	s6 =	sld [smem:$0x3FB2]  }
0x2c: {  	s7 =	sld [smem:$0x3FB3]  }
0x2d: {  	s3 =	simm.s32 $0x108;
	s8 =	sld [smem:$0x3FB4]  }
0x2e: {  	s3 =	simm.s32 @!p0 $0x1082;
	s9 =	sld [smem:$0x3FB5]  }
0x2f: {  	lr =	sadd.s32 s0, s3;
	s0 =	sld [smem:$0x3FAC]  }
0x30: {  	s3 =	sld [smem:$0x3FAF]  }
0x31: {  	[smem:$0x3FB8] =	sst s10  }
0x32: {  	s10 =	sld [smem:$0x3FB6];
	_ =	sdelay $0x3  }
0x33: {  	p0 =	seq.s32 s10, $0x1;
	s10 =	sld [smem:$0x3FB8];
	_ =	sdelay $0x3  }
0x34: {  	[smem:$0x3FB8] =	sst s10  }
0x35: {  	s10 =	sld [smem:$0x3FB7];
	_ =	sdelay $0x3  }
0x36: {  	p1 =	seq.s32 s10, $0x1;
	s10 =	sld [smem:$0x3FB8];
	_ =	sdelay $0x3  }
0x37: {  	[smem:$0x3FB8] =	sst s10  }
0x38: {  	s10 =	sld [smem:$0x3FB9]  }
0x39: {  	_ = 	snop;
	(pc) =	sbr.ind lr, $3  }
0x3a: {  	_ = 	snop  }
0x3b: {  	_ = 	snop  }
0x3c: {  	p2 =	seq.s32 s10, $0x1;
	s10 =	sld [smem:$0x3FB8]  }
0x3d: {  	_ =	shalt  }
0x3e: {  	_ =	shalt  }
0x3f: {  	_ =	shalt  }
0x40: {  	_ =	shalt  }
0x41: {  	_ =	shalt  }
0x42: {  	_ =	shalt  }
0x43: {  	_ =	shalt  }
0x44: {  	_ =	shalt  }
0x45: {  	_ =	shalt  }
0x46: {  	_ =	shalt  }
0x47: {  	_ =	shalt  }
0x48: {  	_ =	shalt  }
0x49: {  	_ =	shalt  }
0x4a: {  	_ =	shalt  }
0x4b: {  	_ =	shalt  }
0x4c: {  	_ =	shalt  }
0x4d: {  	_ =	shalt  }
0x4e: {  	_ =	shalt  }
0x4f: {  	_ =	shalt  }
0x50: {  	_ =	shalt  }
0x51: {  	_ =	shalt  }
0x52: {  	_ =	shalt  }
0x53: {  	_ =	shalt  }
0x54: {  	_ =	shalt  }
0x55: {  	_ =	shalt  }
0x56: {  	_ =	shalt  }
0x57: {  	_ =	shalt  }
0x58: {  	_ =	shalt  }
0x59: {  	_ =	shalt  }
0x5a: {  	_ =	shalt  }
0x5b: {  	_ =	shalt  }
0x5c: {  	_ =	shalt  }
0x5d: {  	_ =	shalt  }
0x5e: {  	_ =	shalt  }
0x5f: {  	_ =	shalt  }
0x60: {  	_ =	shalt  }
0x61: {  	_ =	shalt  }
0x62: {  	_ =	shalt  }
0x63: {  	_ =	shalt  }
0x64: {  	_ =	shalt  }
0x65: {  	_ =	shalt  }
0x66: {  	_ =	shalt  }
0x67: {  	_ =	shalt  }
0x68: {  	_ =	shalt  }
0x69: {  	_ =	shalt  }
0x6a: {  	_ =	shalt  }
0x6b: {  	_ =	shalt  }
0x6c: {  	_ =	shalt  }
0x6d: {  	_ =	shalt  }
0x6e: {  	_ =	shalt  }
0x6f: {  	_ =	shalt  }
0x70: {  	_ =	shalt  }
0x71: {  	_ =	shalt  }
0x72: {  	_ =	shalt  }
0x73: {  	_ =	shalt  }
0x74: {  	_ =	shalt  }
0x75: {  	_ =	shalt  }
0x76: {  	_ =	shalt  }
0x77: {  	_ =	shalt  }
0x78: {  	_ =	shalt  }
0x79: {  	_ =	shalt  }
0x7a: {  	_ =	shalt  }
0x7b: {  	_ =	shalt  }
0x7c: {  	_ =	shalt  }
0x7d: {  	_ =	shalt  }
0x7e: {  	_ =	shalt  }
0x7f: {  	_ =	shalt  }
0x80: {  	_ =	shalt  }
0x81: {  	_ =	shalt  }
0x82: {  	_ =	shalt  }
0x83: {  	_ =	shalt  }
0x84: {  	_ =	shalt  }
0x85: {  	_ =	shalt  }
0x86: {  	_ =	shalt  }
0x87: {  	_ =	shalt  }
.Lfunc_end0:
.L_simem_size_0:
called_computation.1_lowered:
.L_overlay_start_0:
0x88: {  	s2 =	sld [smem:$0x3FD9]  }
0x89: {  	s3 =	sld [smem:$0x3FFE];
	_ =	sdelay $0x1  }
0x8a: {  	s1 =	srdreg.scid  }
0x8b: {  	s0 =	sand.u32 $0x1, s1  }
0x8c: {  	s15 =	sshll.u32 s0, $0xA;
	s2 =	sadd.s32 s3, s2  }
0x8d: {  	s2 =	sadd.s32 s2, s15  }
0x8e: {  	[smem:$0x3FC4] =	sst s2  }
0x8f: {  	_ = 	snop  }
0x90: {  	s2 =	sld [smem:$0x3FD0];
	_ =	sdelay $0x2  }
0x91: {  	s16 =	simm.s32 $0xB;
	s4 =	simm.s32 $0x10  }
0x92: {  	[smem:s4], [sflag:s16] =	dma.local [hbm:s2], $0x1  }
0x93: {  	_ =	swait.eq [sflag:s16], $0x1  }
0x94: {  	[sflag:s16] =	ssyncset.done $0x0  }
0x95: {  	[sflag:s16] =	ssyncadd.s32 $0xFFFFFFFF  }
0x96: {  	s17 =	sld [smem:$0x10];
	(tm) =	ssettm $0x1  }
0x97: {  	s18 =	sld [smem:$0x3FFB];
	_ =	sdelay $0x3  }
0x98: {  	_ =	strace s18  }
0x99: {  	s2 =	sld [smem:$0x3FFC];
	_ =	sdelay $0x3  }
0x9a: {  	_ =	strace s2  }
0x9b: {  	s2 =	sld [smem:$0x3FFD];
	_ =	sdelay $0x3  }
0x9c: {  	_ =	strace s2  }
0x9d: {  	_ =	strace $0x8FFFFFFF  }
0x9e: {  	s19 =	sld [smem:$0x3FDB];
	_ =	sdelay $0x1  }
0x9f: {  	s20 =	simm.s32 $_scs_section_size  }
0xa0: {  	s5 =	simm.s32 $_size__tile_overlayer_lowered;
	s6 =	simm.s32 $_tile_overlayer_lowered  }
0xa1: {  	s7 =	simm.s32 $0x1BFF;
	s21 =	sshll.u32 s6, $0x1;
	s4 =	sadd.s32 s20, s19  }
0xa2: {  	s22 =	simm.s32 $0x0;
	s5 =	sshll.u32 s5, $0x1;
	s6 =	sadd.s32 s21, s4  }
0xa3: {  	[timem:s22], [sflag:s7] =	dma.local [hbm:s6], s5  }
0xa4: {  	_ =	swait.ge [sflag:s7], s5  }
0xa5: {  	s5 =	ssub.s32 $0x0, s5;
	[sflag:s7] =	ssyncset.done $0x0  }
0xa6: {  	[sflag:s7] =	ssyncadd.s32 s5;
	_ =	sdelay $0x1  }
0xa7: {  	s23 =	simm.s32 $0x1B8B  }
0xa8: {  	_ =	swait.ge [sflag:s23], $0x1  }
0xa9: {  	[sflag:s23] =	ssyncset.done $0x0  }
0xaa: {  	[sflag:s23] =	ssyncadd.s32 $0xFFFFFFFF  }
0xab: {  	s5 =	sld [smem:$0x0]  }
0xac: {  	s6 =	sand.u32 $0xFFFFFFFE, s1  }
0xad: {  	p0 =	sne.s32 s1, s6  }
0xae: {  	s6 =	sshll.u32 @p0 s6, $0xE  }
0xaf: {  	s6 =	sadd.s32 @p0 $0x11B8D, s6;
	s7 =	sshll.u32 @p0 s5, $0x11  }
0xb0: {  	s6 =	sor.u32 @p0 s7, s6  }
0xb1: {  	[sflag:s6] =	ssyncadd.remote.s32 @p0 $0x1;
	_ =	sdelay $0x1  }
0xb2: {  	s6 =	simm.s32 @p0 $0x1B8D  }
0xb3: {  	_ =	swait.eq @p0 [sflag:s6], $0x1  }
0xb4: {  	[sflag:s6] =	ssyncadd.s32 @p0 $0xFFFFFFFF  }
0xb5: {  	s7 =	sshll.u32 @!p0 s1, $0xE  }
0xb6: {  	s7 =	sor.u32 @!p0 $0x4000, s7;
	s6 =	simm.s32 @!p0 $0x1B8D  }
0xb7: {  	s5 =	sshll.u32 @!p0 s5, $0x11;
	s7 =	sadd.s32 @!p0 $0x11B8D, s7;
	_ =	swait.eq @!p0 [sflag:s6], $0x1  }
0xb8: {  	s5 =	sor.u32 @!p0 s5, s7;
	[sflag:s6] =	ssyncadd.s32 @!p0 $0xFFFFFFFF  }
0xb9: {  	s25 =	simm.s32 $0x1B8E;
	s24 =	sld [smem:$0x3FFE];
	[sflag:s5] =	ssyncadd.remote.s32 @!p0 $0x1  }
0xba: {  	s26 =	simm.s32 $execute0_lowered;
	[smem:$0x3FD2] =	sst s25  }
0xbb: {  	s6 =	sshll.u32 s26, $0x1;
	_ =	strace $0x80000049;
	[dreg:$0x1] =	wrdreg $0xFFFFFFFF  }
0xbc: {  	s28 =	simm.s32 $_size_execute0_lowered;
	s4 =	sadd.s32 s4, s6;
	[dreg:$0x0] =	wrdreg $0x0  }
0xbd: {  	s6 =	sshll.u32 s28, $0x1;
	[dreg:$0x2] =	wrdreg s4  }
0xbe: {  	[dreg:$0x3] =	wrdreg s6  }
0xbf: {  	[dreg:$0x4] =	wrdreg $0xC0  }
0xc0: {  	_ =	task [dreg:s22], $0x5FFFF  }
0xc1: {  	[dreg:$0x1] =	wrdreg $0xFFFFFFFF  }
0xc2: {  	[dreg:$0x0] =	wrdreg $0x60  }
0xc3: {  	[dreg:$0x2] =	wrdreg s24  }
0xc4: {  	[dreg:$0x3] =	wrdreg s17  }
0xc5: {  	[dreg:$0x4] =	wrdreg $0xA  }
0xc6: {  	_ =	task.clear_ibuf [dreg:s22], $0x5FFFF;
	_ =	strace $0x90000049  }
0xc7: {  	s29 =	simm.s32 $0xA;
	_ =	strace $0x8000004B  }
0xc8: {  	_ =	swait.ge [sflag:s29], $0x1  }
0xc9: {  	[sflag:s29] =	ssyncadd.s32 $0xFFFFFFFF  }
0xca: {  	_ =	strace $0x9000004B  }
0xcb: {  	_ =	sfence  }
0xcc: {  	s30 =	sld [smem:$0x0];
	_ =	sdelay $0x2  }
0xcd: {  	s31 =	sshll.u32 s1, $0xD;
	s1 =	sshrl.u32 s1, $0x2  }
0xce: {  	s4 =	sand.u32 $0x4000, s31;
	s1 =	sadd.s32 s1, s30  }
0xcf: {  	s0 =	sor.u32 s4, s0;
	s1 =	sshll.u32 s1, $0x11  }
0xd0: {  	s0 =	sor.u32 s1, s0  }
0xd1: {  	s0 =	sadd.s32 $0x8F2B, s0  }
0xd2: {  	[sflag:s0] =	ssyncadd.remote.s32 $0x1  }
0xd3: {  	_ =	sfence.sel $0xFFFF  }
0xd4: {  	[dreg:$0x0] =	wrdreg $0xFFFFFFFF;
	(pc) =	sbr.abs _section_cstart, $3  }
0xd5: {  	[dreg:$0x1] =	wrdreg $0xFFFFFFFF  }
0xd6: {  	_ =	task.clear_ibuf [dreg:s22], $0x2FFFF;
	_ =	strace $0x9FFFFFFF  }
0xd7: {  	(tm) =	ssettm $0x7FFFFFFF  }
tec
execute0_lowered:
.L_overlay_start_1:
0x0: {  	(tag) =	ssettag $0x1  }
0x1: {  	s0 =	srdreg.scid  }
0x2: {  	s1 =	sshll.u32 s0, $0x4  }
0x3: {  	s0 =	stileid.u32;
	s1 =	sand.u32 $0x10, s1  }
0x4: {  	s2 =	sor.u32 s0, s1  }
0x5: {  	s1 =	smin.u32 s2, $0x12  }
0x6: {  	s1 =	sadd.s32 s2, s1  }
0x7: {  	p0 =	slt.u32 s2, $0x12;
	s2 =	simm.s32 $0x320;
	s1 =	smul.u32 $0x190, s1  }
0x8: {  	s2 =	simm.s32 @!p0 $0x190  }
0x9: {  	s2 =	sadd.s32 s2, s1  }
0xa: {  	s3 =	smin.u32 s2, $0x4E20  }
0xb: {  	s7 =	ssub.s32 s3, s1  }
0xc: {  	p0 =	sgt.s32 s7, $0x0  }
0xd: {  	s7 =	simm.s32 @!p0 $0x0  }
0xe: {  	s31 =	sand.u32 $0xFFF0, s7  }
0xf: {  	s2 =	sshrl.u32 s31, $0x4  }
0x10: {  	s9 =	rddreg [dreg:$0x0];
	s2 =	smul.u32 $0xA3E, s2  }
0x11: {  	s4 =	rddreg [dreg:$0x1];
	s6 =	simm.s32 $0x1  }
0x12: {  	s11 =	simm.s32 $0x3;
	s13 =	simm.s32 $0x0;
	s8 =	sshrl.u32 s2, $0x10  }
0x13: {  	s12 =	simm.s32 $0x0;
	s5 =	sadd.s32 $0x16A600, s9;
	s10 =	smul.u32 $0x190, s8  }
.Ltmp0:
0x14: {  	s9 =	sadd.s32 $0x1EA600, s9;
	s2 =	rddreg [dreg:$0x2];
	(pc) =	sbr.rel .LBB2_1-.Ltmp0, $4  }
0x15: {  	_ =	strace $0x8000004A;
	p0 =	sne.s32 s7, s10;
	s10 =	simm.s32 $0x1  }
0x16: {  	[sflag:s6] =	ssyncpa.u1 $0x0;
	s7 =	simm.s32 $0x2;
	s10 =	simm.s32 @!p0 $0x0  }
0x17: {  	[sflag:s7] =	ssyncpa.u1 $0x0;
	p0 =	por $0x0, $0x0;
	s8 =	sadd.s32 s8, s10  }
0x18: {  	vm0 =	vmmov $0xff;
	vm1 =	vcmask $0x3F20;
	[sflag:s11] =	ssyncpa.u1 $0x0;
	s11 =	smov.u32 s1;
	s10 =	sadd.s32 $0x1, s8  }
.LBB2_6:
0x19: {  	[hbm:s17] =	stream.linear.scatter [tilespmem:s14], [sflag:$0x3], $0x400, $0x38;
	[tilespmem:$0x19320] =	vst v63  }
.LBB2_7:
0x1a: {  	s13 =	sadd.s32 $0x190, s11  }
0x1b: {  	s15 =	smov.u32 s1;
	p2 =	slt.s32 s13, s3  }
0x1c: {  	s15 =	smov.u32 @p2 s13;
	p2 =	sne.s32 s12, s10  }
.Ltmp1:
0x1d: {  	p1 =	slt.u32 s12, $0x2;
	(pc) =	sbr.rel @!p2 .LBB2_8-.Ltmp1, $4  }
0x1e: {  	s14 =	simm.s32 @!p1 $0x3  }
0x1f: {  	s16 =	sadd.s32 $0x1, s12;
	_ =	swait.ge @!p1 [sflag:s14], $0xC800  }
0x20: {  	p0 =	por !p0, !p0;
	s13 =	smov.u32 s11;
	[sflag:s14] =	ssyncset.done @!p1 $0x0  }
0x21: {  	s12 =	smov.u32 s16;
	s11 =	smov.u32 s15;
	[sflag:s14] =	ssyncadd.s32 @!p1 $0xFFFF3800  }
.LBB2_1:
0x22: {  	p1 =	sge.u32 s12, s8  }
0x23: {  	s14 =	sxor.u32 @!p1 $0xFFFFFFFF, s12  }
0x24: {  	s14 =	sand.u32 @!p1 $0x1, s14  }
0x25: {  	s14 =	smul.u32 @!p1 $0x640, s14  }
0x26: {  	s31 =	sadd.s32 $0xFFFFFFFF, s12;
	s15 =	sshrl.u32 @!p1 s11, $0x3  }
0x27: {  	s16 =	sand.u32 @!p1 $0x7, s11;
	s15 =	sadd.s32 @!p1 s4, s15;
	s14 =	sshrl.u32 @!p1 s14, $0x2  }
0x28: {  	[tilespmem:s14], [sflag:$0x2] =	stream.linear.gather @!p1 [hbm4b:s15+s16], $0x190, $0x38;
	[tilespmem:$0x19320] =	vst v63  }
0x29: {  	p1 =	sge.u32 s31, s8  }
.Ltmp2:
0x2a: {  	_ = 	snop;
	(pc) =	sbr.rel @p1 .LBB2_7-.Ltmp2, $1  }
0x2b: {  	_ =	sdelay $0x3  }
0x2c: {  	s14 =	simm.s32 $0x1  }
0x2d: {  	s14 =	simm.s32 @!p0 $0x0  }
0x2e: {  	s15 =	smul.u32 $0x640, s14  }
0x2f: {  	_ =	swait.ge [sflag:s7], $0x190  }
0x30: {  	[sflag:s7] =	ssyncset.done $0x0;
	s16 =	sshrl.u32 s15, $0x2  }
0x31: {  	[sflag:s7] =	ssyncadd.s32 $0xFFFFFE70;
	s15 =	sadd.s32 $0x0, s16  }
0x32: {  	v0 =	vld.msk [tilespmem:s15+$0x0 ss:$0x1], $0xffff;
	_ =	sdelay $0x4  }
0x33: {  	v1 =	vshll.u32 v0, $0x6  }
0x34: {  	vm2 =	veq.s32 v0, $0x80000000;
	v0 =	vshll.u32 v0, $0x15;
	v1 =	vand.u32 $0x1FFF80, v1  }
0x35: {  	v0 =	vand.u32 $0x200000, v0;
	v1 =	vsel vm2, $0xFFFFFF80, v1  }
0x36: {  	v0 =	vsel vm2, $0xFFE00000, v0;
	v2 =	vand.u32 $0xFFFFFC00, v1  }
0x37: {  	v1 =	vand.u32 $0x380, v1;
	v0 =	vadd.s32 v0, v2  }
0x38: {  	v0 =	vor.u32 v1, v0  }
0x39: {  	v0 =	vshrl.u32 v0, $0x3  }
0x3a: {  	s14 =	smul.u32 $0x32000, s14;
	_ =	sdelay $0x1  }
0x3b: {  	s14 =	sshrl.u32 s14, $0x2  }
0x3c: {  	s14 =	sor.u32 $0x320, s14  }
0x3d: {  	[tilespmem:s14], [sflag:$0x1] =	stream.indirect_vreg.gather [hbm:s5], $0x80, v0, vm0, $0x38;
	[tilespmem:$0x19320] =	vst v63  }
0x3e: {  	s17 =	sadd.s32 $0x10, s16;
	s15 =	sadd.s32 $0x400, s14  }
0x3f: {  	[tilespmem:s15], [sflag:$0x1] =	stream.indirect_vreg.gather [hbm:s5], $0x80, v0, vm1, $0x38;
	[tilespmem:$0x19320] =	vst v63  }
0x40: {  	s18 =	simm.s32 $0x80;
	v0 =	vld.msk [tilespmem:s17+$0x0 ss:$0x1], $0xffff;
	s17 =	smov.u32 s14  }
.LBB2_3:
0x41: {  	p1 =	sne.s32 s18, $0x600;
	_ =	sdelay $0x4  }
0x42: {  	v1 =	vshll.u32 v0, $0x6  }
0x43: {  	vm2 =	veq.s32 v0, $0x80000000;
	v0 =	vshll.u32 v0, $0x15;
	v1 =	vand.u32 $0x1FFF80, v1  }
0x44: {  	v0 =	vand.u32 $0x200000, v0;
	v1 =	vsel vm2, $0xFFFFFF80, v1  }
0x45: {  	v0 =	vsel vm2, $0xFFE00000, v0;
	v2 =	vand.u32 $0xFFFFFC00, v1  }
0x46: {  	v1 =	vand.u32 $0x380, v1;
	v0 =	vadd.s32 v0, v2  }
0x47: {  	v0 =	vor.u32 v1, v0  }
0x48: {  	v0 =	vshrl.u32 v0, $0x3;
	_ =	sdelay $0x3  }
.Ltmp3:
0x49: {  	s19 =	sshra.s32 s18, $0x2;
	s17 =	sadd.s32 $0x800, s17;
	(pc) =	sbr.rel @p1 .LBB2_3-.Ltmp3, $4  }
0x4a: {  	[tilespmem:s17], [sflag:$0x1] =	stream.indirect_vreg.gather [hbm:s5], $0x80, v0, vm0, $0x38;
	[tilespmem:$0x19320] =	vst v63  }
0x4b: {  	s19 =	sadd.s32 s19, s16;
	s20 =	sadd.s32 $0x400, s17  }
0x4c: {  	[tilespmem:s20], [sflag:$0x1] =	stream.indirect_vreg.gather [hbm:s5], $0x80, v0, vm1, $0x38;
	[tilespmem:$0x19320] =	vst v63  }
0x4d: {  	s18 =	sadd.s32 $0x40, s18;
	v0 =	vld.msk [tilespmem:s19+$0x0 ss:$0x1], $0xffff  }
0x4e: {  	_ =	sdelay $0x3  }
0x4f: {  	v1 =	vshll.u32 v0, $0x6  }
0x50: {  	vm2 =	veq.s32 v0, $0x80000000;
	v63 =	vshll.u32 v0, $0x15;
	v1 =	vand.u32 $0x1FFF80, v1  }
0x51: {  	v0 =	vand.u32 $0x200000, v63;
	v1 =	vsel vm2, $0xFFFFFF80, v1  }
0x52: {  	v0 =	vsel vm2, $0xFFE00000, v0;
	v2 =	vand.u32 $0xFFFFFC00, v1  }
0x53: {  	v1 =	vand.u32 $0x380, v1;
	v0 =	vadd.s32 v0, v2  }
0x54: {  	v0 =	vor.u32 v1, v0  }
0x55: {  	v0 =	vshrl.u32 v0, $0x3;
	_ =	sdelay $0x3  }
0x56: {  	s16 =	sadd.s32 $0x800, s17  }
0x57: {  	[tilespmem:s16], [sflag:$0x1] =	stream.indirect_vreg.gather [hbm:s5], $0x80, v0, vm0, $0x38;
	[tilespmem:$0x19320] =	vst v63  }
0x58: {  	s16 =	sadd.s32 $0x400, s16  }
0x59: {  	[tilespmem:s16], [sflag:$0x1] =	stream.indirect_vreg.gather [hbm:s5], $0x80, v0, vm1, $0x38;
	[tilespmem:$0x19320] =	vst v63  }
0x5a: {  	s13 =	sshll.u32 s13, $0x4;
	_ =	swait.ge [sflag:s6], $0xC800  }
0x5b: {  	s13 =	sadd.s32 s13, s9;
	[sflag:s6] =	ssyncset.done $0x0  }
0x5c: {  	s17 =	sadd.s32 $0x0, s13;
	s16 =	simm.s32 $0x80;
	[sflag:s6] =	ssyncadd.s32 $0xFFFF3800  }
.LBB2_5:
0x5d: {  	[hbm:s17] =	stream.linear.scatter [tilespmem:s14], [sflag:$0x3], $0x400, $0x38;
	[tilespmem:$0x19320] =	vst v63  }
0x5e: {  	s17 =	smov.u32 s16;
	s14 =	smov.u32 s15;
	p1 =	sne.s32 s16, $0x1880  }
.Ltmp4:
0x5f: {  	s16 =	sadd.s32 $0x80, s16;
	(pc) =	sbr.rel @p1 .LBB2_5-.Ltmp4, $2  }
0x60: {  	_ =	sdelay $0x2  }
0x61: {  	s15 =	sadd.s32 $0x400, s15;
	s17 =	sadd.s32 s17, s13  }
.Ltmp5:
0x62: {  	_ = 	snop;
	(pc) =	sbr.rel .LBB2_6-.Ltmp5, $1  }
0x63: {  	_ =	sdelay $0x3  }
.LBB2_8:
0x64: {  	_ =	sfence.sel $0x180000  }
0x65: {  	s1 =	simm.s32 $0x2;
	[bflag:$0x0] =	sbarrier.arrive $0xFFFF  }
0x66: {  	s30 =	simm.s32 $0x3;
	[sflag:s1] =	ssyncpa.u1 $0x1  }
0x67: {  	s31 =	simm.s32 $0x1;
	[sflag:s30] =	ssyncpa.u1 $0x1  }
0x68: {  	[sflag:s31] =	ssyncpa.u1 $0x1  }
0x69: {  	p0 =	sne.s32 s0, $0x0;
	_ =	strace $0x9000004A  }
0x6a: {  	s0 =	sadd.s32 @!p0 $0x100000, s2;
	[bflag:$0x2] =	sbarrier.arrive $0xFFFF  }
0x6b: {  	[sflag:s0] =	ssyncadd.tile.s32 @!p0 $0x1;
	_ =	shalt  }
.Lfunc_end2:
_tile_overlayer_lowered:
.L_overlay_start_2:
0x6c: {  	(tag) =	ssettag $0x2  }
0x6d: {  	s0 =	rddreg [dreg:$0x0];
	s2 =	stileid.u32  }
0x6e: {  	s1 =	rddreg [dreg:$0x1];
	p0 =	sne.s32 s2, $0x0  }
0x6f: {  	s3 =	rddreg [dreg:$0x2];
	[bflag:$0x3] =	sbarrier.arrive $0xFFFF;
	s2 =	simm.s32 @!p0 $0x1C01  }
0x70: {  	[timem:s3], [sflag:s2] =	dma.local @!p0 [hbm:s0], s1  }
0x71: {  	s0 =	simm.s32 @!p0 $0x1  }
0x72: {  	_ =	swait.ge @!p0 [sflag:s0], s1  }
0x73: {  	s1 =	ssub.s32 @!p0 $0x0, s1;
	[sflag:s0] =	ssyncset.done @!p0 $0x0  }
0x74: {  	[sflag:s0] =	ssyncadd.s32 @!p0 s1  }
0x75: {  	[bflag:$0x3] =	sbarrier.arrive $0xFFFF  }
0x76: {  	_ =	shalt  }

// kernel: gather_offload_async_start
scs
__scs_entry_jumppad:
0x0: {  	(pc) =	sbr.rel $0x88, $3  }
0x1: {  	(tag) =	ssettag $0x0;
	lr =	simm.s32 $0x1  }
0x2: {  	[smem:$0x3F9D] =	sst lr;
	_ =	strace $0xD0000000  }
0x3: {  	_ = 	snop  }
0x4: {  	_ = 	snop  }
0x5: {  	_ = 	snop  }
0x6: {  	_ = 	snop  }
0x7: {  	_ = 	snop  }
__scs_overlays_trampoline_lowered:
0x8: {  	[smem:$0x3FAC] =	sst s0  }
0x9: {  	[smem:$0x3FAD] =	sst s1  }
0xa: {  	[smem:$0x3FAE] =	sst s2  }
0xb: {  	[smem:$0x3FAF] =	sst s3  }
0xc: {  	[smem:$0x3FB0] =	sst s4  }
0xd: {  	[smem:$0x3FB1] =	sst s5  }
0xe: {  	[smem:$0x3FB2] =	sst s6  }
0xf: {  	[smem:$0x3FB3] =	sst s7  }
0x10: {  	[smem:$0x3FB4] =	sst s8  }
0x11: {  	[smem:$0x3FB5] =	sst s9;
	s0 =	simm.s32 @!p0 $0x0  }
0x12: {  	s1 =	sld [smem:$0x3F9B];
	s0 =	simm.s32 @p0 $0x1  }
0x13: {  	[smem:$0x3FB6] =	sst s0;
	s0 =	simm.s32 @!p1 $0x0  }
0x14: {  	s2 =	sld [smem:$0x3F9A];
	s0 =	simm.s32 @p1 $0x1  }
0x15: {  	[smem:$0x3FB7] =	sst s0;
	s0 =	simm.s32 @!p2 $0x0  }
0x16: {  	s3 =	sld [smem:$0x3FDB];
	s0 =	simm.s32 @p2 $0x1  }
0x17: {  	s4 =	simm.s32 $0x1BF5;
	[smem:$0x3FB9] =	sst s0  }
0x18: {  	s0 =	sld [smem:$0x3F9C];
	_ =	swait.ge [sflag:s4], $0x0  }
0x19: {  	s7 =	sld [smem:$0x3F9D]  }
0x1a: {  	s8 =	sadd.s32 $0xFFFFE003, lr  }
0x1b: {  	s9 =	sadd.s32 $0xFFFFFEF7, lr;
	s5 =	simm.s32 $0xFFFFFFFF;
	p2 =	slt.u32 s8, $0xFFFFF086  }
0x1c: {  	p1 =	slt.u32 s9, $0xF7A;
	s5 =	simm.s32 @!p2 $0x0  }
0x1d: {  	s5 =	simm.s32 @p1 $0x1;
	p0 =	seq.s32 s7, s2  }
0x1e: {  	s7 =	smul.u32 @!p0 $0xF7A, s2;
	p2 =	seq.s32 @!p0 s5, $0x0  }
0x1f: {  	s9 =	smul.u32 $0xF7A, s1;
	s8 =	simm.s32 @!p0 $0x1BF5;
	p2 =	por !p2, p0  }
0x20: {  	[sflag:s8] =	ssyncset.s32 @!p0 $0xFFFFF086;
	s6 =	sadd.s32 @!p0 s3, s7;
	s7 =	simm.s32 @!p0 $0x108  }
0x21: {  	s3 =	sadd.s32 s3, s9;
	s6 =	sadd.s32 @!p0 $0x88, s6;
	s7 =	simm.s32 @p2 $0x1082  }
0x22: {  	[simem:s7], [sflag:s8] =	dma.local @!p0 [hbm:s6], $0xF7A  }
0x23: {  	s9 =	sor.u32 $0xD0000000, s2;
	s6 =	simm.s32 $0x108;
	_ =	swait.ge @!p0 [sflag:s8], $0x0  }
0x24: {  	s3 =	sadd.s32 $0x88, s3;
	s6 =	simm.s32 @!p1 $0x1082;
	[sflag:s4] =	ssyncset.s32 $0xFFFFF086  }
0x25: {  	[simem:s6], [sflag:s4] =	dma.local [hbm:s3], $0xF7A  }
0x26: {  	[smem:$0x3F9D] =	sst s1;
	(tag) =	ssettag s2;
	_ =	strace s9  }
0x27: {  	s1 =	sld [smem:$0x3FAD]  }
0x28: {  	s2 =	sld [smem:$0x3FAE]  }
0x29: {  	s4 =	sld [smem:$0x3FB0]  }
0x2a: {  	p0 =	seq.s32 s5, $0x0;
	s5 =	sld [smem:$0x3FB1]  }
0x2b: {  	s6 =	sld [smem:$0x3FB2]  }
0x2c: {  	s7 =	sld [smem:$0x3FB3]  }
0x2d: {  	s3 =	simm.s32 $0x108;
	s8 =	sld [smem:$0x3FB4]  }
0x2e: {  	s3 =	simm.s32 @!p0 $0x1082;
	s9 =	sld [smem:$0x3FB5]  }
0x2f: {  	lr =	sadd.s32 s0, s3;
	s0 =	sld [smem:$0x3FAC]  }
0x30: {  	s3 =	sld [smem:$0x3FAF]  }
0x31: {  	[smem:$0x3FB8] =	sst s10  }
0x32: {  	s10 =	sld [smem:$0x3FB6];
	_ =	sdelay $0x3  }
0x33: {  	p0 =	seq.s32 s10, $0x1;
	s10 =	sld [smem:$0x3FB8];
	_ =	sdelay $0x3  }
0x34: {  	[smem:$0x3FB8] =	sst s10  }
0x35: {  	s10 =	sld [smem:$0x3FB7];
	_ =	sdelay $0x3  }
0x36: {  	p1 =	seq.s32 s10, $0x1;
	s10 =	sld [smem:$0x3FB8];
	_ =	sdelay $0x3  }
0x37: {  	[smem:$0x3FB8] =	sst s10  }
0x38: {  	s10 =	sld [smem:$0x3FB9]  }
0x39: {  	_ = 	snop;
	(pc) =	sbr.ind lr, $3  }
0x3a: {  	_ = 	snop  }
0x3b: {  	_ = 	snop  }
0x3c: {  	p2 =	seq.s32 s10, $0x1;
	s10 =	sld [smem:$0x3FB8]  }
0x3d: {  	_ =	shalt  }
0x3e: {  	_ =	shalt  }
0x3f: {  	_ =	shalt  }
0x40: {  	_ =	shalt  }
0x41: {  	_ =	shalt  }
0x42: {  	_ =	shalt  }
0x43: {  	_ =	shalt  }
0x44: {  	_ =	shalt  }
0x45: {  	_ =	shalt  }
0x46: {  	_ =	shalt  }
0x47: {  	_ =	shalt  }
0x48: {  	_ =	shalt  }
0x49: {  	_ =	shalt  }
0x4a: {  	_ =	shalt  }
0x4b: {  	_ =	shalt  }
0x4c: {  	_ =	shalt  }
0x4d: {  	_ =	shalt  }
0x4e: {  	_ =	shalt  }
0x4f: {  	_ =	shalt  }
0x50: {  	_ =	shalt  }
0x51: {  	_ =	shalt  }
0x52: {  	_ =	shalt  }
0x53: {  	_ =	shalt  }
0x54: {  	_ =	shalt  }
0x55: {  	_ =	shalt  }
0x56: {  	_ =	shalt  }
0x57: {  	_ =	shalt  }
0x58: {  	_ =	shalt  }
0x59: {  	_ =	shalt  }
0x5a: {  	_ =	shalt  }
0x5b: {  	_ =	shalt  }
0x5c: {  	_ =	shalt  }
0x5d: {  	_ =	shalt  }
0x5e: {  	_ =	shalt  }
0x5f: {  	_ =	shalt  }
0x60: {  	_ =	shalt  }
0x61: {  	_ =	shalt  }
0x62: {  	_ =	shalt  }
0x63: {  	_ =	shalt  }
0x64: {  	_ =	shalt  }
0x65: {  	_ =	shalt  }
0x66: {  	_ =	shalt  }
0x67: {  	_ =	shalt  }
0x68: {  	_ =	shalt  }
0x69: {  	_ =	shalt  }
0x6a: {  	_ =	shalt  }
0x6b: {  	_ =	shalt  }
0x6c: {  	_ =	shalt  }
0x6d: {  	_ =	shalt  }
0x6e: {  	_ =	shalt  }
0x6f: {  	_ =	shalt  }
0x70: {  	_ =	shalt  }
0x71: {  	_ =	shalt  }
0x72: {  	_ =	shalt  }
0x73: {  	_ =	shalt  }
0x74: {  	_ =	shalt  }
0x75: {  	_ =	shalt  }
0x76: {  	_ =	shalt  }
0x77: {  	_ =	shalt  }
0x78: {  	_ =	shalt  }
0x79: {  	_ =	shalt  }
0x7a: {  	_ =	shalt  }
0x7b: {  	_ =	shalt  }
0x7c: {  	_ =	shalt  }
0x7d: {  	_ =	shalt  }
0x7e: {  	_ =	shalt  }
0x7f: {  	_ =	shalt  }
0x80: {  	_ =	shalt  }
0x81: {  	_ =	shalt  }
0x82: {  	_ =	shalt  }
0x83: {  	_ =	shalt  }
0x84: {  	_ =	shalt  }
0x85: {  	_ =	shalt  }
0x86: {  	_ =	shalt  }
0x87: {  	_ =	shalt  }
.Lfunc_end0:
.L_simem_size_0:
called_computation_lowered:
.L_overlay_start_0:
0x88: {  	s2 =	sld [smem:$0x3FD9]  }
0x89: {  	s3 =	sld [smem:$0x3FFE];
	_ =	sdelay $0x1  }
0x8a: {  	s1 =	srdreg.scid  }
0x8b: {  	s0 =	sand.u32 $0x1, s1  }
0x8c: {  	s14 =	sshll.u32 s0, $0xA;
	s2 =	sadd.s32 s3, s2  }
0x8d: {  	s2 =	sadd.s32 s2, s14  }
0x8e: {  	[smem:$0x3FC4] =	sst s2  }
0x8f: {  	_ = 	snop  }
0x90: {  	s2 =	sld [smem:$0x3FD0];
	_ =	sdelay $0x2  }
0x91: {  	s15 =	simm.s32 $0xB;
	s4 =	simm.s32 $0x10  }
0x92: {  	[smem:s4], [sflag:s15] =	dma.local [hbm:s2], $0x1  }
0x93: {  	_ =	swait.eq [sflag:s15], $0x1  }
0x94: {  	[sflag:s15] =	ssyncset.done $0x0  }
0x95: {  	[sflag:s15] =	ssyncadd.s32 $0xFFFFFFFF  }
0x96: {  	s16 =	sld [smem:$0x10];
	(tm) =	ssettm $0x1  }
0x97: {  	s17 =	sld [smem:$0x3FFB];
	_ =	sdelay $0x3  }
0x98: {  	_ =	strace s17  }
0x99: {  	s3 =	sld [smem:$0x3FFC];
	_ =	sdelay $0x3  }
0x9a: {  	_ =	strace s3  }
0x9b: {  	s3 =	sld [smem:$0x3FFD];
	_ =	sdelay $0x3  }
0x9c: {  	_ =	strace s3  }
0x9d: {  	_ =	strace $0x8FFFFFFF  }
0x9e: {  	s18 =	sld [smem:$0x3FDB];
	_ =	sdelay $0x1  }
0x9f: {  	s19 =	simm.s32 $_scs_section_size  }
0xa0: {  	s5 =	simm.s32 $_size__tile_overlayer_lowered;
	s6 =	simm.s32 $_tile_overlayer_lowered  }
0xa1: {  	s22 =	simm.s32 $0x1BFF;
	s21 =	sshll.u32 s6, $0x1;
	s3 =	sadd.s32 s19, s18  }
0xa2: {  	s7 =	simm.s32 $0x0;
	s20 =	sshll.u32 s5, $0x1;
	s5 =	sadd.s32 s21, s3  }
0xa3: {  	[timem:s7], [sflag:s22] =	dma.local [hbm:s5], s20  }
0xa4: {  	_ =	swait.ge [sflag:s22], s20  }
0xa5: {  	s4 =	ssub.s32 $0x0, s20;
	[sflag:s22] =	ssyncset.done $0x0  }
0xa6: {  	[sflag:s22] =	ssyncadd.s32 s4;
	_ =	sdelay $0x1  }
0xa7: {  	s23 =	simm.s32 $0x1B8B  }
0xa8: {  	_ =	swait.ge [sflag:s23], $0x1  }
0xa9: {  	[sflag:s23] =	ssyncset.done $0x0  }
0xaa: {  	s25 =	simm.s32 $0x1B8E;
	s24 =	sld [smem:$0x3FFE];
	[sflag:s23] =	ssyncadd.s32 $0xFFFFFFFF  }
0xab: {  	s26 =	simm.s32 $execute0_lowered;
	[smem:$0x3FD2] =	sst s25  }
0xac: {  	s5 =	sshll.u32 s26, $0x1;
	_ =	strace $0x80000046;
	[dreg:$0x1] =	wrdreg $0xFFFFFFFF  }
0xad: {  	s28 =	simm.s32 $_size_execute0_lowered;
	s3 =	sadd.s32 s3, s5;
	[dreg:$0x0] =	wrdreg $0x0  }
0xae: {  	s5 =	sshll.u32 s28, $0x1;
	[dreg:$0x2] =	wrdreg s3  }
0xaf: {  	[dreg:$0x3] =	wrdreg s5  }
0xb0: {  	[dreg:$0x4] =	wrdreg $0xC0  }
0xb1: {  	_ =	task [dreg:s7], $0x5FFFF  }
0xb2: {  	[dreg:$0x1] =	wrdreg $0xFFFFFFFF  }
0xb3: {  	[dreg:$0x0] =	wrdreg $0x60  }
0xb4: {  	[dreg:$0x2] =	wrdreg s24  }
0xb5: {  	[dreg:$0x3] =	wrdreg s16  }
0xb6: {  	[dreg:$0x4] =	wrdreg $0x9  }
0xb7: {  	_ =	task.clear_ibuf [dreg:s7], $0x5FFFF;
	_ =	strace $0x90000046  }
0xb8: {  	s29 =	simm.s32 $0x9;
	_ =	strace $0x80000048  }
0xb9: {  	_ =	swait.ge [sflag:s29], $0x1  }
0xba: {  	[sflag:s29] =	ssyncadd.s32 $0xFFFFFFFF  }
0xbb: {  	_ =	strace $0x90000048  }
0xbc: {  	_ =	sfence  }
0xbd: {  	s30 =	sld [smem:$0x0];
	_ =	sdelay $0x2  }
0xbe: {  	s31 =	sshll.u32 s1, $0xD;
	s1 =	sshrl.u32 s1, $0x2  }
0xbf: {  	s3 =	sand.u32 $0x4000, s31;
	s1 =	sadd.s32 s1, s30  }
0xc0: {  	s0 =	sor.u32 s3, s0;
	s1 =	sshll.u32 s1, $0x11  }
0xc1: {  	s0 =	sor.u32 s1, s0  }
0xc2: {  	s0 =	sadd.s32 $0x8F2B, s0  }
0xc3: {  	[sflag:s0] =	ssyncadd.remote.s32 $0x1  }
0xc4: {  	_ =	sfence.sel $0xFFFF  }
0xc5: {  	[dreg:$0x0] =	wrdreg $0xFFFFFFFF;
	(pc) =	sbr.abs _section_cstart, $3  }
0xc6: {  	[dreg:$0x1] =	wrdreg $0xFFFFFFFF  }
0xc7: {  	_ =	task.clear_ibuf [dreg:s7], $0x2FFFF;
	_ =	strace $0x9FFFFFFF  }
0xc8: {  	(tm) =	ssettm $0x7FFFFFFF  }
0xc9: {  	_ =	shalt  }
tec
execute0_lowered:
.L_overlay_start_1:
0x0: {  	(tag) =	ssettag $0x1  }
0x1: {  	s0 =	srdreg.scid  }
0x2: {  	s1 =	sshll.u32 s0, $0x4  }
0x3: {  	s0 =	stileid.u32;
	s1 =	sand.u32 $0x10, s1  }
0x4: {  	s2 =	sor.u32 s0, s1  }
0x5: {  	s1 =	smin.u32 s2, $0x12  }
0x6: {  	s1 =	sadd.s32 s2, s1  }
0x7: {  	p0 =	slt.u32 s2, $0x12;
	s2 =	simm.s32 $0x320;
	s1 =	smul.u32 $0x190, s1  }
0x8: {  	s2 =	simm.s32 @!p0 $0x190  }
0x9: {  	s2 =	sadd.s32 s2, s1  }
0xa: {  	s3 =	smin.u32 s2, $0x4E20  }
0xb: {  	s7 =	ssub.s32 s3, s1  }
0xc: {  	p0 =	sgt.s32 s7, $0x0  }
0xd: {  	s7 =	simm.s32 @!p0 $0x0  }
0xe: {  	s31 =	sand.u32 $0xFFF0, s7  }
0xf: {  	s2 =	sshrl.u32 s31, $0x4  }
0x10: {  	s4 =	rddreg [dreg:$0x0];
	s2 =	smul.u32 $0xA3E, s2  }
0x11: {  	s5 =	rddreg [dreg:$0x1]  }
0x12: {  	s6 =	simm.s32 $0x1;
	s10 =	simm.s32 $0x3;
	s8 =	sshrl.u32 s2, $0x10  }
0x13: {  	s13 =	simm.s32 $0x0;
	s12 =	simm.s32 $0x0;
	s9 =	smul.u32 $0x190, s8  }
.Ltmp0:
0x14: {  	s11 =	smov.u32 s1;
	s2 =	rddreg [dreg:$0x2];
	(pc) =	sbr.rel .LBB2_1-.Ltmp0, $4  }
0x15: {  	_ =	strace $0x80000047;
	p0 =	sne.s32 s7, s9;
	s9 =	simm.s32 $0x1  }
0x16: {  	[sflag:s6] =	ssyncpa.u1 $0x0;
	s7 =	simm.s32 $0x2;
	s9 =	simm.s32 @!p0 $0x0  }
0x17: {  	[sflag:s7] =	ssyncpa.u1 $0x0;
	p0 =	por $0x0, $0x0;
	s8 =	sadd.s32 s8, s9  }
0x18: {  	vm0 =	vmmov $0xff;
	vm1 =	vcmask $0x3F20;
	s9 =	sadd.s32 $0xEA600, s4;
	[sflag:s10] =	ssyncpa.u1 $0x0;
	s10 =	sadd.s32 $0x1, s8  }
.LBB2_6:
0x19: {  	[hbm:s17] =	stream.linear.scatter [tilespmem:s14], [sflag:$0x3], $0x400, $0x38;
	[tilespmem:$0x19320] =	vst v63  }
.LBB2_7:
0x1a: {  	s13 =	sadd.s32 $0x190, s11  }
0x1b: {  	s15 =	smov.u32 s1;
	p2 =	slt.s32 s13, s3  }
0x1c: {  	s15 =	smov.u32 @p2 s13;
	p2 =	sne.s32 s12, s10  }
.Ltmp1:
0x1d: {  	p1 =	slt.u32 s12, $0x2;
	(pc) =	sbr.rel @!p2 .LBB2_8-.Ltmp1, $4  }
0x1e: {  	s14 =	simm.s32 @!p1 $0x3  }
0x1f: {  	s16 =	sadd.s32 $0x1, s12;
	_ =	swait.ge @!p1 [sflag:s14], $0xC800  }
0x20: {  	p0 =	por !p0, !p0;
	s13 =	smov.u32 s11;
	[sflag:s14] =	ssyncset.done @!p1 $0x0  }
0x21: {  	s12 =	smov.u32 s16;
	s11 =	smov.u32 s15;
	[sflag:s14] =	ssyncadd.s32 @!p1 $0xFFFF3800  }
.LBB2_1:
0x22: {  	p1 =	sge.u32 s12, s8  }
0x23: {  	s14 =	sxor.u32 @!p1 $0xFFFFFFFF, s12  }
0x24: {  	s14 =	sand.u32 @!p1 $0x1, s14  }
0x25: {  	s14 =	smul.u32 @!p1 $0x640, s14  }
0x26: {  	s31 =	sadd.s32 $0xFFFFFFFF, s12;
	s15 =	sshrl.u32 @!p1 s11, $0x3  }
0x27: {  	s16 =	sand.u32 @!p1 $0x7, s11;
	s15 =	sadd.s32 @!p1 s5, s15;
	s14 =	sshrl.u32 @!p1 s14, $0x2  }
0x28: {  	[tilespmem:s14], [sflag:$0x2] =	stream.linear.gather @!p1 [hbm4b:s15+s16], $0x190, $0x38;
	[tilespmem:$0x19320] =	vst v63  }
0x29: {  	p1 =	sge.u32 s31, s8  }
.Ltmp2:
0x2a: {  	_ = 	snop;
	(pc) =	sbr.rel @p1 .LBB2_7-.Ltmp2, $1  }
0x2b: {  	_ =	sdelay $0x3  }
0x2c: {  	s14 =	simm.s32 $0x1  }
0x2d: {  	s14 =	simm.s32 @!p0 $0x0  }
0x2e: {  	s15 =	smul.u32 $0x640, s14  }
0x2f: {  	_ =	swait.ge [sflag:s7], $0x190  }
0x30: {  	[sflag:s7] =	ssyncset.done $0x0;
	s16 =	sshrl.u32 s15, $0x2  }
0x31: {  	[sflag:s7] =	ssyncadd.s32 $0xFFFFFE70;
	s15 =	sadd.s32 $0x0, s16  }
0x32: {  	v0 =	vld.msk [tilespmem:s15+$0x0 ss:$0x1], $0xffff;
	_ =	sdelay $0x4  }
0x33: {  	v1 =	vshll.u32 v0, $0x6  }
0x34: {  	vm2 =	veq.s32 v0, $0x80000000;
	v0 =	vshll.u32 v0, $0x15;
	v1 =	vand.u32 $0x1FFF80, v1  }
0x35: {  	v0 =	vand.u32 $0x200000, v0;
	v1 =	vsel vm2, $0xFFFFFF80, v1  }
0x36: {  	v0 =	vsel vm2, $0xFFE00000, v0;
	v2 =	vand.u32 $0xFFFFFC00, v1  }
0x37: {  	v1 =	vand.u32 $0x380, v1;
	v0 =	vadd.s32 v0, v2  }
0x38: {  	v0 =	vor.u32 v1, v0  }
0x39: {  	v0 =	vshrl.u32 v0, $0x3  }
0x3a: {  	s14 =	smul.u32 $0x32000, s14;
	_ =	sdelay $0x1  }
0x3b: {  	s14 =	sshrl.u32 s14, $0x2  }
0x3c: {  	s14 =	sor.u32 $0x320, s14  }
0x3d: {  	[tilespmem:s14], [sflag:$0x1] =	stream.indirect_vreg.gather [hbm:s9], $0x80, v0, vm0, $0x38;
	[tilespmem:$0x19320] =	vst v63  }
0x3e: {  	s17 =	sadd.s32 $0x10, s16;
	s15 =	sadd.s32 $0x400, s14  }
0x3f: {  	[tilespmem:s15], [sflag:$0x1] =	stream.indirect_vreg.gather [hbm:s9], $0x80, v0, vm1, $0x38;
	[tilespmem:$0x19320] =	vst v63  }
0x40: {  	s18 =	simm.s32 $0x80;
	v0 =	vld.msk [tilespmem:s17+$0x0 ss:$0x1], $0xffff;
	s17 =	smov.u32 s14  }
.LBB2_3:
0x41: {  	p1 =	sne.s32 s18, $0x600;
	_ =	sdelay $0x4  }
0x42: {  	v1 =	vshll.u32 v0, $0x6  }
0x43: {  	vm2 =	veq.s32 v0, $0x80000000;
	v0 =	vshll.u32 v0, $0x15;
	v1 =	vand.u32 $0x1FFF80, v1  }
0x44: {  	v0 =	vand.u32 $0x200000, v0;
	v1 =	vsel vm2, $0xFFFFFF80, v1  }
0x45: {  	v0 =	vsel vm2, $0xFFE00000, v0;
	v2 =	vand.u32 $0xFFFFFC00, v1  }
0x46: {  	v1 =	vand.u32 $0x380, v1;
	v0 =	vadd.s32 v0, v2  }
0x47: {  	v0 =	vor.u32 v1, v0  }
0x48: {  	v0 =	vshrl.u32 v0, $0x3;
	_ =	sdelay $0x3  }
.Ltmp3:
0x49: {  	s19 =	sshra.s32 s18, $0x2;
	s17 =	sadd.s32 $0x800, s17;
	(pc) =	sbr.rel @p1 .LBB2_3-.Ltmp3, $4  }
0x4a: {  	[tilespmem:s17], [sflag:$0x1] =	stream.indirect_vreg.gather [hbm:s9], $0x80, v0, vm0, $0x38;
	[tilespmem:$0x19320] =	vst v63  }
0x4b: {  	s19 =	sadd.s32 s19, s16;
	s20 =	sadd.s32 $0x400, s17  }
0x4c: {  	[tilespmem:s20], [sflag:$0x1] =	stream.indirect_vreg.gather [hbm:s9], $0x80, v0, vm1, $0x38;
	[tilespmem:$0x19320] =	vst v63  }
0x4d: {  	s18 =	sadd.s32 $0x40, s18;
	v0 =	vld.msk [tilespmem:s19+$0x0 ss:$0x1], $0xffff  }
0x4e: {  	_ =	sdelay $0x3  }
0x4f: {  	v1 =	vshll.u32 v0, $0x6  }
0x50: {  	vm2 =	veq.s32 v0, $0x80000000;
	v63 =	vshll.u32 v0, $0x15;
	v1 =	vand.u32 $0x1FFF80, v1  }
0x51: {  	v0 =	vand.u32 $0x200000, v63;
	v1 =	vsel vm2, $0xFFFFFF80, v1  }
0x52: {  	v0 =	vsel vm2, $0xFFE00000, v0;
	v2 =	vand.u32 $0xFFFFFC00, v1  }
0x53: {  	v1 =	vand.u32 $0x380, v1;
	v0 =	vadd.s32 v0, v2  }
0x54: {  	v0 =	vor.u32 v1, v0  }
0x55: {  	v0 =	vshrl.u32 v0, $0x3;
	_ =	sdelay $0x3  }
0x56: {  	s16 =	sadd.s32 $0x800, s17  }
0x57: {  	[tilespmem:s16], [sflag:$0x1] =	stream.indirect_vreg.gather [hbm:s9], $0x80, v0, vm0, $0x38;
	[tilespmem:$0x19320] =	vst v63  }
0x58: {  	s16 =	sadd.s32 $0x400, s16  }
0x59: {  	[tilespmem:s16], [sflag:$0x1] =	stream.indirect_vreg.gather [hbm:s9], $0x80, v0, vm1, $0x38;
	[tilespmem:$0x19320] =	vst v63  }
0x5a: {  	s13 =	sshll.u32 s13, $0x4;
	_ =	swait.ge [sflag:s6], $0xC800  }
0x5b: {  	s13 =	sadd.s32 s13, s4;
	[sflag:s6] =	ssyncset.done $0x0  }
0x5c: {  	s17 =	sadd.s32 $0x0, s13;
	s16 =	simm.s32 $0x80;
	[sflag:s6] =	ssyncadd.s32 $0xFFFF3800  }
.LBB2_5:
0x5d: {  	[hbm:s17] =	stream.linear.scatter [tilespmem:s14], [sflag:$0x3], $0x400, $0x38;
	[tilespmem:$0x19320] =	vst v63  }
0x5e: {  	s17 =	smov.u32 s16;
	s14 =	smov.u32 s15;
	p1 =	sne.s32 s16, $0x1880  }
.Ltmp4:
0x5f: {  	s16 =	sadd.s32 $0x80, s16;
	(pc) =	sbr.rel @p1 .LBB2_5-.Ltmp4, $2  }
0x60: {  	_ =	sdelay $0x2  }
0x61: {  	s15 =	sadd.s32 $0x400, s15;
	s17 =	sadd.s32 s17, s13  }
.Ltmp5:
0x62: {  	_ = 	snop;
	(pc) =	sbr.rel .LBB2_6-.Ltmp5, $1  }
0x63: {  	_ =	sdelay $0x3  }
.LBB2_8:
0x64: {  	_ =	sfence.sel $0x180000  }
0x65: {  	s1 =	simm.s32 $0x2;
	[bflag:$0x0] =	sbarrier.arrive $0xFFFF  }
0x66: {  	s30 =	simm.s32 $0x3;
	[sflag:s1] =	ssyncpa.u1 $0x1  }
0x67: {  	s31 =	simm.s32 $0x1;
	[sflag:s30] =	ssyncpa.u1 $0x1  }
0x68: {  	[sflag:s31] =	ssyncpa.u1 $0x1  }
0x69: {  	p0 =	sne.s32 s0, $0x0;
	_ =	strace $0x90000047  }
0x6a: {  	s0 =	sadd.s32 @!p0 $0x100000, s2;
	[bflag:$0x2] =	sbarrier.arrive $0xFFFF  }
0x6b: {  	[sflag:s0] =	ssyncadd.tile.s32 @!p0 $0x1;
	_ =	shalt  }
.Lfunc_end2:
_tile_overlayer_lowered:
.L_overlay_start_2:
0x6c: {  	(tag) =	ssettag $0x2  }
0x6d: {  	s0 =	rddreg [dreg:$0x0];
	s2 =	stileid.u32  }
0x6e: {  	s1 =	rddreg [dreg:$0x1];
	p0 =	sne.s32 s2, $0x0  }
0x6f: {  	s3 =	rddreg [dreg:$0x2];
	[bflag:$0x3] =	sbarrier.arrive $0xFFFF;
	s2 =	simm.s32 @!p0 $0x1C01  }
0x70: {  	[timem:s3], [sflag:s2] =	dma.local @!p0 [hbm:s0], s1  }
0x71: {  	s0 =	simm.s32 @!p0 $0x1  }
0x72: {  	_ =	swait.ge @!p0 [sflag:s0], s1  }
0x73: {  	s1 =	ssub.s32 @!p0 $0x0, s1;
	[sflag:s0] =	ssyncset.done @!p0 $0x0  }
0x74: {  	[sflag:s0] =	ssyncadd.s32 @!p0 s1  }
0x75: {  	[bflag:$0x3] =	sbarrier.arrive $0xFFFF  }
0x76: {  	_ =	shalt  }

</sc_bundles>
